<compile_context>
chip_gen: v7x
topology: tpu7x:2x2x1
jax: 0.10.2.dev20260603
libtpu: 0.0.44.dev20260713+nightly
codegen_flags: <defaults>
</compile_context>

<pallas_src>
import jax
import jax.numpy as jnp
from jax import lax
from jax.experimental import pallas as pl
from jax.experimental.pallas import tpu as pltpu
from jax.experimental.pallas import tpu_sc as plsc

N = 4096
NNZ_IN = 1677721
R_CHUNK = 256
NPASS = 8
ACC_WORDS = R_CHUNK * N
NOWN = 16
NTILES = 16
E_BLK = 2048
NNZ_PAD = ((NNZ_IN + NTILES * E_BLK - 1) // (NTILES * E_BLK)) * (NTILES * E_BLK)
T_PER_TILE = NNZ_PAD // NTILES
N_BLKS = T_PER_TILE // E_BLK
G_PER_BLK = E_BLK // 16
CAPB = 1024
CAPR = NNZ_PAD + NNZ_PAD // 4 + 65536
ZERO_W = 8192


def _body(rows_hbm, cols_hbm, vals_hbm, out_hbm, bins_i, bins_v,
          acc_spmem, zero_v, rbuf, cbuf, vbuf, bki, bkv, idx2, val2,
          cpbuf, cur_v, rc_smem):
  c = lax.axis_index("c")
  s = lax.axis_index("s")
  base = s * T_PER_TILE

  def zinit(g, carry):
    zero_v[pl.ds(g * 16, 16)] = jnp.zeros((16,), jnp.float32)
    return carry
  lax.fori_loop(0, ZERO_W // 16, zinit, jnp.int32(0))
  cur_v[pl.ds(0, 16)] = jnp.zeros((16,), jnp.int32)

  R = R_CHUNK
  share = R * N // NTILES
  slice_w = R * N // NOWN
  own_of = lambda x: lax.shift_right_logical(x, 16)

  def pass_body(p, pcarry):
    lo = p * (2 * R) + c * R

    @pl.when(s == 0)
    def _():
      for o in range(NOWN):
        rc_smem[o] = jnp.int32(0)
    def zfill(k, car):
      pltpu.sync_copy(zero_v, acc_spmem.at[pl.ds(s * share + k * ZERO_W, ZERO_W)])
      return car
    lax.fori_loop(0, share // ZERO_W, zfill, jnp.int32(0))
    plsc.subcore_barrier()

    def flush_bucket(o, fcarry):
      lanes = lax.iota(jnp.int32, 16)
      cur = cur_v[pl.ds(0, 16)]
      cnt = jnp.sum(jnp.where(lanes == o, cur, jnp.int32(0)))
      nr = lax.shift_right_logical(cnt + 127, 7)
      ceil = lax.shift_left(nr, 7)
      padi = jnp.full((16,), jnp.int32(1), jnp.int32) * (o * slice_w)
      padv = jnp.zeros((16,), jnp.float32)
      for gg in range(8):
        ppos = cnt + gg * 16 + lax.iota(jnp.int32, 16)
        pm = ppos < ceil
        plsc.store_scatter(bki, [o * CAPB + ppos], padi, mask=pm)
        plsc.store_scatter(bkv, [o * CAPB + ppos], padv, mask=pm)
      pl.delay(200)
      off = plsc.fetch_and_add(rc_smem.at[o], ceil, subcore_id=0)
      rbase = pl.multiple_of((c * NOWN + o) * CAPR + off, 128)
      obase = pl.multiple_of(o * CAPB, 128)

      def cp(j, car):
        dsti = pl.multiple_of(rbase + j * 128, 128)
        srci = pl.multiple_of(obase + j * 128, 128)
        pltpu.sync_copy(bki.at[pl.ds(srci, 128)], bins_i.at[pl.ds(dsti, 128)])
        pltpu.sync_copy(bkv.at[pl.ds(srci, 128)], bins_v.at[pl.ds(dsti, 128)])
        return car
      lax.fori_loop(0, nr, cp, jnp.int32(0))
      cur_v[pl.ds(0, 16)] = jnp.where(lax.iota(jnp.int32, 16) == o,
                                      jnp.int32(0), cur)
      return fcarry

    def flush_all(carry):
      return lax.fori_loop(0, NOWN, flush_bucket, carry)

    def grp_body(g, carry):
      r = rbuf[pl.ds(g * 16, 16)]
      cc = cbuf[pl.ds(g * 16, 16)]
      v = vbuf[pl.ds(g * 16, 16)]
      m = (r >= lo) & (r < lo + R)
      lidx = (r - lo) * N + cc
      sig = 1.0 / (1.0 + jnp.exp(-v))
      own = own_of(lidx) & 15
      rank, _lastm = plsc.scan_count(own, mask=m)
      curg = plsc.load_gather(cur_v, [own])
      pos = curg + rank - 1
      plsc.store_scatter(bki, [own * CAPB + pos], lidx, mask=m)
      plsc.store_scatter(bkv, [own * CAPB + pos], sig, mask=m)
      plsc.addupdate_scatter(cur_v, [own], rank, mask=m & _lastm)

      def check_full(car):
        cur = cur_v[pl.ds(0, 16)]
        anyfull = plsc.all_reduce_population_count(cur >= CAPB - 128)[0]
        return lax.cond(anyfull > 0, flush_all, lambda x: x, car)
      return lax.cond((g & 7) == 0, check_full, lambda x: x, carry)

    def blk_body(b, carry):
      off = base + b * E_BLK
      pltpu.sync_copy(rows_hbm.at[pl.ds(off, E_BLK)], rbuf)
      pltpu.sync_copy(cols_hbm.at[pl.ds(off, E_BLK)], cbuf)
      pltpu.sync_copy(vals_hbm.at[pl.ds(off, E_BLK)], vbuf)
      return lax.fori_loop(0, G_PER_BLK, grp_body, carry)

    lax.fori_loop(0, N_BLKS, blk_body, jnp.int32(0))
    flush_all(jnp.int32(0))
    plsc.subcore_barrier()

    if True:
      cnt = plsc.fetch_and_add(rc_smem.at[s], jnp.int32(0), subcore_id=0)
      nr = lax.shift_right_logical(cnt, 7)
      rbase = pl.multiple_of((c * NOWN + s) * CAPR, 128)

      def crow(j, car):
        jj = j & 15
        srci = pl.multiple_of(rbase + j * 128, 128)
        pltpu.sync_copy(bins_i.at[pl.ds(srci, 128)], idx2.at[jj])
        pltpu.sync_copy(bins_v.at[pl.ds(srci, 128)], val2.at[jj])
        pltpu.sync_copy(val2.at[jj], acc_spmem.at[idx2.at[jj]], add=True)
        return car
      lax.fori_loop(0, nr, crow, jnp.int32(0))
    plsc.subcore_barrier()

    out_base = lo * N + s * share

    def cpout(k, car):
      pltpu.sync_copy(acc_spmem.at[pl.ds(s * share + k * ZERO_W, ZERO_W)], cpbuf)
      pltpu.sync_copy(cpbuf, out_hbm.at[pl.ds(out_base + k * ZERO_W, ZERO_W)])
      return car
    nvalid = jnp.maximum(jnp.int32(0),
                         jnp.minimum(jnp.int32(share), N * N - out_base))
    lax.fori_loop(0, lax.shift_right_logical(nvalid, 13), cpout, jnp.int32(0))
    return pcarry

  lax.fori_loop(0, NPASS, pass_body, jnp.int32(0))


@jax.jit
def _run(rows_p, cols_p, vals_p):
  mesh = plsc.VectorSubcoreMesh(core_axis_name="c", subcore_axis_name="s")
  f = pl.kernel(
      _body,
      out_type=jax.ShapeDtypeStruct((N * N,), jnp.float32),
      mesh=mesh,
      compiler_params=pltpu.CompilerParams(needs_layout_passes=False),
      scratch_types=[
          pltpu.MemorySpace.HBM((2 * NOWN * CAPR,), jnp.int32),
          pltpu.MemorySpace.HBM((2 * NOWN * CAPR,), jnp.float32),
          pltpu.VMEM_SHARED((ACC_WORDS,), jnp.float32),
          pltpu.VMEM((ZERO_W,), jnp.float32),
          pltpu.VMEM((E_BLK,), jnp.int32),
          pltpu.VMEM((E_BLK,), jnp.int32),
          pltpu.VMEM((E_BLK,), jnp.float32),
          pltpu.VMEM((NOWN * CAPB,), jnp.int32),
          pltpu.VMEM((NOWN * CAPB,), jnp.float32),
          pltpu.VMEM((16, 128), jnp.int32),
          pltpu.VMEM((16, 128), jnp.float32),
          pltpu.VMEM((ZERO_W,), jnp.float32),
          pltpu.VMEM((16,), jnp.int32),
          pltpu.SMEM((16,), jnp.int32),
      ],
  )
  return f(rows_p, cols_p, vals_p)


def kernel(indices, values):
  pad = NNZ_PAD - NNZ_IN
  rows = jnp.concatenate([indices[0].astype(jnp.int32),
                          jnp.full((pad,), N, jnp.int32)])
  cols = jnp.concatenate([indices[1].astype(jnp.int32),
                          jnp.zeros((pad,), jnp.int32)])
  vals = jnp.concatenate([values, jnp.zeros((pad,), jnp.float32)])
  out = _run(rows, cols, vals)
  return out.reshape(N, N)

# --- scband reference (transcript-rebuilt; emitter-appended) ---
"""Pipeline reference for scband-learnable-sparse-coo-29695403884983 (READ-ONLY COPY).

The authoritative reference and input builder live on the scoring server;
editing this copy changes nothing except your own understanding.
"""

import jax, jax.numpy as jnp
import numpy as np

N = 4096
NNZ = 1677721

def setup_inputs(seed: int = 0) -> dict:
    key = jax.random.key(seed)
    k1, k2 = jax.random.split(key)
    indices = jax.random.randint(k1, (2, NNZ), 0, N, dtype=jnp.int64)
    # learned parameter: raw (pre-sigmoid) values, initialized with torch.rand-like uniform [0,1)
    values = jax.random.uniform(k2, (NNZ,), dtype=jnp.float32)
    return {"indices": indices, "values": values}

def reference(indices, values):
    # forward: constrained_values = sigmoid(values); build sparse COO tensor of shape (N, N).
    # Faithful dense materialization: uncoalesced duplicate indices accumulate (sum), matching
    # torch.sparse_coo_tensor(...).to_dense() semantics.
    constrained_values = jax.nn.sigmoid(values)
    dense = jnp.zeros((N, N), dtype=values.dtype).at[indices[0], indices[1]].add(constrained_values)
    return dense

if __name__ == "__main__":
    import jax
    _d = setup_inputs()
    print(jax.jit(kernel)(*tuple(_d.values())))

</pallas_src>

<mosaic_0001>
#map = affine_map<(d0, d1) -> (0)>
module attributes {stable_mosaic.version = 14 : i64} {
  func.func @_body(%arg0: i32, %arg1: i32, %arg2: memref<1703936xi32, #tpu.memory_space<hbm>>, %arg3: memref<1703936xi32, #tpu.memory_space<hbm>>, %arg4: memref<1703936xf32, #tpu.memory_space<hbm>>, %arg5: memref<16777216xf32, #tpu.memory_space<hbm>>, %arg6: memref<70254592xi32, #tpu.memory_space<hbm>>, %arg7: memref<70254592xf32, #tpu.memory_space<hbm>>, %arg8: memref<1048576xf32, #tpu.memory_space<vmem_shared>>, %arg9: memref<8192xf32, #tpu.memory_space<vmem>>, %arg10: memref<2048xi32, #tpu.memory_space<vmem>>, %arg11: memref<2048xi32, #tpu.memory_space<vmem>>, %arg12: memref<2048xf32, #tpu.memory_space<vmem>>, %arg13: memref<16384xi32, #tpu.memory_space<vmem>>, %arg14: memref<16384xf32, #tpu.memory_space<vmem>>, %arg15: memref<16x128xi32, #tpu.memory_space<vmem>>, %arg16: memref<16x128xf32, #tpu.memory_space<vmem>>, %arg17: memref<8192xf32, #tpu.memory_space<vmem>>, %arg18: memref<16xi32, #tpu.memory_space<vmem>>, %arg19: memref<16xi32, #tpu.memory_space<smem>>) attributes {dimension_semantics = [#tpu.dimension_semantics<core_parallel>, #tpu.dimension_semantics<subcore_parallel>], iteration_bounds = array<i64: 2, 16>, scalar_prefetch = 0 : i64, scratch_operands = 14 : i64, tpu.core_type = #tpu.core_type<sc_vector_subcore>, window_params = [{transform_indices = #map}, {transform_indices = #map}, {transform_indices = #map}, {transform_indices = #map}]} {
    %mul3A = arith.constant 106496 : i32
    %mul3A_0 = arith.muli %arg1, %mul3A : i32
    %scan3A = arith.constant 0 : i32
    %scan3A_1 = arith.constant 0 : i32
    %scan3A_2 = arith.constant 512 : i32
    %scan3A_3 = arith.addi %scan3A_1, %scan3A_2 : i32
    %scan3A_4 = arith.constant 1 : i32
    scf.for %scan3A_14 = %scan3A_1 to %scan3A_3 step %scan3A_4  : i32 {
      %broadcast_in_dim3A_15 = arith.constant 0.000000e+00 : f32
      %broadcast_in_dim3A_16 = vector.broadcast %broadcast_in_dim3A_15 : f32 to vector<16xf32>
      %mul3A_17 = arith.constant 16 : i32
      %mul3A_18 = arith.muli %scan3A_14, %mul3A_17 : i32
      %swap3A_19 = arith.index_cast %mul3A_18 : i32 to index
      %swap3A_20 = tpu.vector_load %arg9[%swap3A_19] {strides = array<i32>} : memref<8192xf32, #tpu.memory_space<vmem>>, vector<16xf32>,
      tpu.vector_store %arg9[%swap3A_19], %broadcast_in_dim3A_16 {strides = array<i32>} : memref<8192xf32, #tpu.memory_space<vmem>>, vector<16xf32>,
    }
    %scan3A_5 = arith.constant 512 : i32
    %broadcast_in_dim3A = arith.constant 0 : i32
    %broadcast_in_dim3A_6 = vector.broadcast %broadcast_in_dim3A : i32 to vector<16xi32>
    %swap3A = arith.constant 0 : index
    %swap3A_7 = tpu.vector_load %arg18[%swap3A] {strides = array<i32>} : memref<16xi32, #tpu.memory_space<vmem>>, vector<16xi32>,
    tpu.vector_store %arg18[%swap3A], %broadcast_in_dim3A_6 {strides = array<i32>} : memref<16xi32, #tpu.memory_space<vmem>>, vector<16xi32>,
    %scan3A_8 = arith.constant 0 : i32
    %scan3A_9 = arith.constant 0 : i32
    %scan3A_10 = arith.constant 8 : i32
    %scan3A_11 = arith.addi %scan3A_9, %scan3A_10 : i32
    %scan3A_12 = arith.constant 1 : i32
    scf.for %scan3A_14 = %scan3A_9 to %scan3A_11 step %scan3A_12  : i32 {
      %mul3A_15 = arith.constant 512 : i32
      %mul3A_16 = arith.muli %scan3A_14, %mul3A_15 : i32
      %mul3A_17 = arith.constant 256 : i32
      %mul3A_18 = arith.muli %arg0, %mul3A_17 : i32
      %add3A = arith.addi %mul3A_16, %mul3A_18 : i32
      %eq3A = arith.constant 0 : i32
      %eq3A_19 = arith.cmpi eq, %arg1, %eq3A : i32
      %convert_element_type3A = arith.extui %eq3A_19 : i1 to i32
      %cond3A = arith.constant 0 : i32
      %cond3A_20 = arith.cmpi ne, %convert_element_type3A, %cond3A : i32
      scf.if %cond3A_20 {
        %swap3A_78 = arith.constant 0 : i32
        %swap3A_79 = arith.constant 0 : i32
        %swap3A_80 = arith.index_cast %swap3A_79 : i32 to index
        %swap3A_81 = memref.load %arg19[%swap3A_80] : memref<16xi32, #tpu.memory_space<smem>>
        memref.store %swap3A_78, %arg19[%swap3A_80] : memref<16xi32, #tpu.memory_space<smem>>
        %swap3A_82 = arith.constant 0 : i32
        %swap3A_83 = arith.constant 1 : i32
        %swap3A_84 = arith.index_cast %swap3A_83 : i32 to index
        %swap3A_85 = memref.load %arg19[%swap3A_84] : memref<16xi32, #tpu.memory_space<smem>>
        memref.store %swap3A_82, %arg19[%swap3A_84] : memref<16xi32, #tpu.memory_space<smem>>
        %swap3A_86 = arith.constant 0 : i32
        %swap3A_87 = arith.constant 2 : i32
        %swap3A_88 = arith.index_cast %swap3A_87 : i32 to index
        %swap3A_89 = memref.load %arg19[%swap3A_88] : memref<16xi32, #tpu.memory_space<smem>>
        memref.store %swap3A_86, %arg19[%swap3A_88] : memref<16xi32, #tpu.memory_space<smem>>
        %swap3A_90 = arith.constant 0 : i32
        %swap3A_91 = arith.constant 3 : i32
        %swap3A_92 = arith.index_cast %swap3A_91 : i32 to index
        %swap3A_93 = memref.load %arg19[%swap3A_92] : memref<16xi32, #tpu.memory_space<smem>>
        memref.store %swap3A_90, %arg19[%swap3A_92] : memref<16xi32, #tpu.memory_space<smem>>
        %swap3A_94 = arith.constant 0 : i32
        %swap3A_95 = arith.constant 4 : i32
        %swap3A_96 = arith.index_cast %swap3A_95 : i32 to index
        %swap3A_97 = memref.load %arg19[%swap3A_96] : memref<16xi32, #tpu.memory_space<smem>>
        memref.store %swap3A_94, %arg19[%swap3A_96] : memref<16xi32, #tpu.memory_space<smem>>
        %swap3A_98 = arith.constant 0 : i32
        %swap3A_99 = arith.constant 5 : i32
        %swap3A_100 = arith.index_cast %swap3A_99 : i32 to index
        %swap3A_101 = memref.load %arg19[%swap3A_100] : memref<16xi32, #tpu.memory_space<smem>>
        memref.store %swap3A_98, %arg19[%swap3A_100] : memref<16xi32, #tpu.memory_space<smem>>
        %swap3A_102 = arith.constant 0 : i32
        %swap3A_103 = arith.constant 6 : i32
        %swap3A_104 = arith.index_cast %swap3A_103 : i32 to index
        %swap3A_105 = memref.load %arg19[%swap3A_104] : memref<16xi32, #tpu.memory_space<smem>>
        memref.store %swap3A_102, %arg19[%swap3A_104] : memref<16xi32, #tpu.memory_space<smem>>
        %swap3A_106 = arith.constant 0 : i32
        %swap3A_107 = arith.constant 7 : i32
        %swap3A_108 = arith.index_cast %swap3A_107 : i32 to index
        %swap3A_109 = memref.load %arg19[%swap3A_108] : memref<16xi32, #tpu.memory_space<smem>>
        memref.store %swap3A_106, %arg19[%swap3A_108] : memref<16xi32, #tpu.memory_space<smem>>
        %swap3A_110 = arith.constant 0 : i32
        %swap3A_111 = arith.constant 8 : i32
        %swap3A_112 = arith.index_cast %swap3A_111 : i32 to index
        %swap3A_113 = memref.load %arg19[%swap3A_112] : memref<16xi32, #tpu.memory_space<smem>>
        memref.store %swap3A_110, %arg19[%swap3A_112] : memref<16xi32, #tpu.memory_space<smem>>
        %swap3A_114 = arith.constant 0 : i32
        %swap3A_115 = arith.constant 9 : i32
        %swap3A_116 = arith.index_cast %swap3A_115 : i32 to index
        %swap3A_117 = memref.load %arg19[%swap3A_116] : memref<16xi32, #tpu.memory_space<smem>>
        memref.store %swap3A_114, %arg19[%swap3A_116] : memref<16xi32, #tpu.memory_space<smem>>
        %swap3A_118 = arith.constant 0 : i32
        %swap3A_119 = arith.constant 10 : i32
        %swap3A_120 = arith.index_cast %swap3A_119 : i32 to index
        %swap3A_121 = memref.load %arg19[%swap3A_120] : memref<16xi32, #tpu.memory_space<smem>>
        memref.store %swap3A_118, %arg19[%swap3A_120] : memref<16xi32, #tpu.memory_space<smem>>
        %swap3A_122 = arith.constant 0 : i32
        %swap3A_123 = arith.constant 11 : i32
        %swap3A_124 = arith.index_cast %swap3A_123 : i32 to index
        %swap3A_125 = memref.load %arg19[%swap3A_124] : memref<16xi32, #tpu.memory_space<smem>>
        memref.store %swap3A_122, %arg19[%swap3A_124] : memref<16xi32, #tpu.memory_space<smem>>
        %swap3A_126 = arith.constant 0 : i32
        %swap3A_127 = arith.constant 12 : i32
        %swap3A_128 = arith.index_cast %swap3A_127 : i32 to index
        %swap3A_129 = memref.load %arg19[%swap3A_128] : memref<16xi32, #tpu.memory_space<smem>>
        memref.store %swap3A_126, %arg19[%swap3A_128] : memref<16xi32, #tpu.memory_space<smem>>
        %swap3A_130 = arith.constant 0 : i32
        %swap3A_131 = arith.constant 13 : i32
        %swap3A_132 = arith.index_cast %swap3A_131 : i32 to index
        %swap3A_133 = memref.load %arg19[%swap3A_132] : memref<16xi32, #tpu.memory_space<smem>>
        memref.store %swap3A_130, %arg19[%swap3A_132] : memref<16xi32, #tpu.memory_space<smem>>
        %swap3A_134 = arith.constant 0 : i32
        %swap3A_135 = arith.constant 14 : i32
        %swap3A_136 = arith.index_cast %swap3A_135 : i32 to index
        %swap3A_137 = memref.load %arg19[%swap3A_136] : memref<16xi32, #tpu.memory_space<smem>>
        memref.store %swap3A_134, %arg19[%swap3A_136] : memref<16xi32, #tpu.memory_space<smem>>
        %swap3A_138 = arith.constant 0 : i32
        %swap3A_139 = arith.constant 15 : i32
        %swap3A_140 = arith.index_cast %swap3A_139 : i32 to index
        %swap3A_141 = memref.load %arg19[%swap3A_140] : memref<16xi32, #tpu.memory_space<smem>>
        memref.store %swap3A_138, %arg19[%swap3A_140] : memref<16xi32, #tpu.memory_space<smem>>
      } else {
      }
      %scan3A_21 = arith.constant 0 : i32
      %scan3A_22 = arith.constant 0 : i32
      %scan3A_23 = arith.constant 8 : i32
      %scan3A_24 = arith.addi %scan3A_22, %scan3A_23 : i32
      %scan3A_25 = arith.constant 1 : i32
      scf.for %scan3A_78 = %scan3A_22 to %scan3A_24 step %scan3A_25  : i32 {
        %mul3A_79 = arith.constant 65536 : i32
        %mul3A_80 = arith.muli %arg1, %mul3A_79 : i32
        %mul3A_81 = arith.constant 8192 : i32
        %mul3A_82 = arith.muli %scan3A_78, %mul3A_81 : i32
        %add3A_83 = arith.addi %mul3A_80, %mul3A_82 : i32
        "tpu.region"() ({
          %run_scoped3A = tpu.sem_alloc : memref<!tpu.dma_semaphore, #tpu.memory_space<semaphore_mem>>
          %dma_start3A = tpu.memref_slice %arg8[%add3A_83] : memref<1048576xf32, #tpu.memory_space<vmem_shared>> -> memref<8192xf32, #tpu.memory_space<vmem_shared>>
          %dma_start3A_84 = tpu.memref_slice %arg8[%add3A_83] : memref<1048576xf32, #tpu.memory_space<vmem_shared>> -> memref<8192xf32, #tpu.memory_space<vmem_shared>>
          tpu.enqueue_dma source(%arg9 : memref<8192xf32, #tpu.memory_space<vmem>>) target(%dma_start3A_84 : memref<8192xf32, #tpu.memory_space<vmem_shared>>) target_semaphore(%run_scoped3A : memref<!tpu.dma_semaphore, #tpu.memory_space<semaphore_mem>>)
          %dma_wait3A = tpu.memref_slice %arg8[%add3A_83] : memref<1048576xf32, #tpu.memory_space<vmem_shared>> -> memref<8192xf32, #tpu.memory_space<vmem_shared>>
          %dma_wait3A_85 = tpu.memref_slice %arg8[%add3A_83] : memref<1048576xf32, #tpu.memory_space<vmem_shared>> -> memref<8192xf32, #tpu.memory_space<vmem_shared>>
          tpu.wait_dma2 semaphore(%run_scoped3A : memref<!tpu.dma_semaphore, #tpu.memory_space<semaphore_mem>>) src(%arg9 : memref<8192xf32, #tpu.memory_space<vmem>>) dst(%dma_wait3A_85 : memref<8192xf32, #tpu.memory_space<vmem_shared>>)
          tpu.yield
        }) : () -> ()
      }
      %scan3A_26 = arith.constant 8 : i32
      %barrier3A = arith.constant 0 : index
      tpu.barrier barrier_id(%barrier3A)
      %scan3A_27 = arith.constant 0 : i32
      %scan3A_28 = arith.constant 0 : i32
      %scan3A_29 = arith.constant 52 : i32
      %scan3A_30 = arith.addi %scan3A_28, %scan3A_29 : i32
      %scan3A_31 = arith.constant 1 : i32
      scf.for %scan3A_78 = %scan3A_28 to %scan3A_30 step %scan3A_31  : i32 {
        %mul3A_79 = arith.constant 2048 : i32
        %mul3A_80 = arith.muli %scan3A_78, %mul3A_79 : i32
        %add3A_81 = arith.addi %mul3A_0, %mul3A_80 : i32
        "tpu.region"() ({
          %run_scoped3A = tpu.sem_alloc : memref<!tpu.dma_semaphore, #tpu.memory_space<semaphore_mem>>
          %dma_start3A = tpu.memref_slice %arg2[%add3A_81] : memref<1703936xi32, #tpu.memory_space<hbm>> -> memref<2048xi32, #tpu.memory_space<hbm>>
          %dma_start3A_87 = tpu.memref_slice %arg2[%add3A_81] : memref<1703936xi32, #tpu.memory_space<hbm>> -> memref<2048xi32, #tpu.memory_space<hbm>>
          tpu.enqueue_dma source(%dma_start3A_87 : memref<2048xi32, #tpu.memory_space<hbm>>) target(%arg10 : memref<2048xi32, #tpu.memory_space<vmem>>) target_semaphore(%run_scoped3A : memref<!tpu.dma_semaphore, #tpu.memory_space<semaphore_mem>>)
          %dma_wait3A = tpu.memref_slice %arg2[%add3A_81] : memref<1703936xi32, #tpu.memory_space<hbm>> -> memref<2048xi32, #tpu.memory_space<hbm>>
          %dma_wait3A_88 = tpu.memref_slice %arg2[%add3A_81] : memref<1703936xi32, #tpu.memory_space<hbm>> -> memref<2048xi32, #tpu.memory_space<hbm>>
          tpu.wait_dma2 semaphore(%run_scoped3A : memref<!tpu.dma_semaphore, #tpu.memory_space<semaphore_mem>>) src(%dma_wait3A_88 : memref<2048xi32, #tpu.memory_space<hbm>>) dst(%arg10 : memref<2048xi32, #tpu.memory_space<vmem>>)
          tpu.yield
        }) : () -> ()
        "tpu.region"() ({
          %run_scoped3A = tpu.sem_alloc : memref<!tpu.dma_semaphore, #tpu.memory_space<semaphore_mem>>
          %dma_start3A = tpu.memref_slice %arg3[%add3A_81] : memref<1703936xi32, #tpu.memory_space<hbm>> -> memref<2048xi32, #tpu.memory_space<hbm>>
          %dma_start3A_87 = tpu.memref_slice %arg3[%add3A_81] : memref<1703936xi32, #tpu.memory_space<hbm>> -> memref<2048xi32, #tpu.memory_space<hbm>>
          tpu.enqueue_dma source(%dma_start3A_87 : memref<2048xi32, #tpu.memory_space<hbm>>) target(%arg11 : memref<2048xi32, #tpu.memory_space<vmem>>) target_semaphore(%run_scoped3A : memref<!tpu.dma_semaphore, #tpu.memory_space<semaphore_mem>>)
          %dma_wait3A = tpu.memref_slice %arg3[%add3A_81] : memref<1703936xi32, #tpu.memory_space<hbm>> -> memref<2048xi32, #tpu.memory_space<hbm>>
          %dma_wait3A_88 = tpu.memref_slice %arg3[%add3A_81] : memref<1703936xi32, #tpu.memory_space<hbm>> -> memref<2048xi32, #tpu.memory_space<hbm>>
          tpu.wait_dma2 semaphore(%run_scoped3A : memref<!tpu.dma_semaphore, #tpu.memory_space<semaphore_mem>>) src(%dma_wait3A_88 : memref<2048xi32, #tpu.memory_space<hbm>>) dst(%arg11 : memref<2048xi32, #tpu.memory_space<vmem>>)
          tpu.yield
        }) : () -> ()
        "tpu.region"() ({
          %run_scoped3A = tpu.sem_alloc : memref<!tpu.dma_semaphore, #tpu.memory_space<semaphore_mem>>
          %dma_start3A = tpu.memref_slice %arg4[%add3A_81] : memref<1703936xf32, #tpu.memory_space<hbm>> -> memref<2048xf32, #tpu.memory_space<hbm>>
          %dma_start3A_87 = tpu.memref_slice %arg4[%add3A_81] : memref<1703936xf32, #tpu.memory_space<hbm>> -> memref<2048xf32, #tpu.memory_space<hbm>>
          tpu.enqueue_dma source(%dma_start3A_87 : memref<2048xf32, #tpu.memory_space<hbm>>) target(%arg12 : memref<2048xf32, #tpu.memory_space<vmem>>) target_semaphore(%run_scoped3A : memref<!tpu.dma_semaphore, #tpu.memory_space<semaphore_mem>>)
          %dma_wait3A = tpu.memref_slice %arg4[%add3A_81] : memref<1703936xf32, #tpu.memory_space<hbm>> -> memref<2048xf32, #tpu.memory_space<hbm>>
          %dma_wait3A_88 = tpu.memref_slice %arg4[%add3A_81] : memref<1703936xf32, #tpu.memory_space<hbm>> -> memref<2048xf32, #tpu.memory_space<hbm>>
          tpu.wait_dma2 semaphore(%run_scoped3A : memref<!tpu.dma_semaphore, #tpu.memory_space<semaphore_mem>>) src(%dma_wait3A_88 : memref<2048xf32, #tpu.memory_space<hbm>>) dst(%arg12 : memref<2048xf32, #tpu.memory_space<vmem>>)
          tpu.yield
        }) : () -> ()
        %scan3A_82 = arith.constant 0 : i32
        %scan3A_83 = arith.constant 128 : i32
        %scan3A_84 = arith.addi %scan3A_82, %scan3A_83 : i32
        %scan3A_85 = arith.constant 1 : i32
        scf.for %scan3A_87 = %scan3A_82 to %scan3A_84 step %scan3A_85  : i32 {
          %mul3A_88 = arith.constant 16 : i32
          %mul3A_89 = arith.muli %scan3A_87, %mul3A_88 : i32
          %get3A = arith.index_cast %mul3A_89 : i32 to index
          %get3A_90 = tpu.vector_load %arg10[%get3A] {strides = array<i32>} : memref<2048xi32, #tpu.memory_space<vmem>>, vector<16xi32>,
          %mul3A_91 = arith.constant 16 : i32
          %mul3A_92 = arith.muli %scan3A_87, %mul3A_91 : i32
          %get3A_93 = arith.index_cast %mul3A_92 : i32 to index
          %get3A_94 = tpu.vector_load %arg11[%get3A_93] {strides = array<i32>} : memref<2048xi32, #tpu.memory_space<vmem>>, vector<16xi32>,
          %mul3A_95 = arith.constant 16 : i32
          %mul3A_96 = arith.muli %scan3A_87, %mul3A_95 : i32
          %get3A_97 = arith.index_cast %mul3A_96 : i32 to index
          %get3A_98 = tpu.vector_load %arg12[%get3A_97] {strides = array<i32>} : memref<2048xf32, #tpu.memory_space<vmem>>, vector<16xf32>,
          %ge3A = vector.broadcast %add3A : i32 to vector<16xi32>
          %ge3A_99 = arith.cmpi sge, %get3A_90, %ge3A : vector<16xi32>
          %add3A_100 = arith.constant 256 : i32
          %add3A_101 = arith.addi %add3A, %add3A_100 : i32
          %lt3A = vector.broadcast %add3A_101 : i32 to vector<16xi32>
          %lt3A_102 = arith.cmpi slt, %get3A_90, %lt3A : vector<16xi32>
          %and3A = arith.andi %ge3A_99, %lt3A_102 : vector<16xi1>
          %sub3A_103 = vector.broadcast %add3A : i32 to vector<16xi32>
          %sub3A_104 = arith.subi %get3A_90, %sub3A_103 : vector<16xi32>
          %mul3A_105 = arith.constant 4096 : i32
          %mul3A_106 = vector.broadcast %mul3A_105 : i32 to vector<16xi32>
          %mul3A_107 = arith.muli %sub3A_104, %mul3A_106 : vector<16xi32>
          %add3A_108 = arith.addi %mul3A_107, %get3A_94 : vector<16xi32>
          %neg3A = arith.constant 0.000000e+00 : f32
          %neg3A_109 = vector.broadcast %neg3A : f32 to vector<16xf32>
          %neg3A_110 = arith.subf %neg3A_109, %get3A_98 : vector<16xf32>
          %exp3A = math.exp %neg3A_110 : vector<16xf32>
          %add3A_111 = arith.constant 1.000000e+00 : f32
          %add3A_112 = vector.broadcast %add3A_111 : f32 to vector<16xf32>
          %add3A_113 = arith.addf %add3A_112, %exp3A : vector<16xf32>
          %div3A = arith.constant 1.000000e+00 : f32
          %div3A_114 = vector.broadcast %div3A : f32 to vector<16xf32>
          %div3A_115 = arith.divf %div3A_114, %add3A_113 : vector<16xf32>
          %shift_right_logical3A_116 = arith.constant 16 : i32
          %shift_right_logical3A_117 = vector.broadcast %shift_right_logical3A_116 : i32 to vector<16xi32>
          %shift_right_logical3A_118 = arith.shrui %add3A_108, %shift_right_logical3A_117 : vector<16xi32>
          %and3A_119 = arith.constant 15 : i32
          %and3A_120 = vector.broadcast %and3A_119 : i32 to vector<16xi32>
          %and3A_121 = arith.andi %shift_right_logical3A_118, %and3A_120 : vector<16xi32>
          %unique3A, %unique3A_122 = tpu.scan_count mask(%and3A : vector<16xi1>) value(%and3A_121 : vector<16xi32>) : vector<16xi1>, vector<16xi32>
          %gather3A = tpu.vector_load_idx %arg18[%and3A_121] : memref<16xi32, #tpu.memory_space<vmem>>[vector<16xi32>], vector<16xi32>,
          %add3A_123 = arith.addi %gather3A, %unique3A_122 : vector<16xi32>
          %sub3A_124 = arith.constant 1 : i32
          %sub3A_125 = vector.broadcast %sub3A_124 : i32 to vector<16xi32>
          %sub3A_126 = arith.subi %add3A_123, %sub3A_125 : vector<16xi32>
          %mul3A_127 = arith.constant 1024 : i32
          %mul3A_128 = vector.broadcast %mul3A_127 : i32 to vector<16xi32>
          %mul3A_129 = arith.muli %and3A_121, %mul3A_128 : vector<16xi32>
          %add3A_130 = arith.addi %mul3A_129, %sub3A_126 : vector<16xi32>
          tpu.vector_store_idx %arg13[%add3A_130], %add3A_108 masked %and3A : memref<16384xi32, #tpu.memory_space<vmem>>[vector<16xi32>], vector<16xi32>, vector<16xi1>
          %mul3A_131 = arith.constant 1024 : i32
          %mul3A_132 = vector.broadcast %mul3A_131 : i32 to vector<16xi32>
          %mul3A_133 = arith.muli %and3A_121, %mul3A_132 : vector<16xi32>
          %add3A_134 = arith.addi %mul3A_133, %sub3A_126 : vector<16xi32>
          tpu.vector_store_idx %arg14[%add3A_134], %div3A_115 masked %and3A : memref<16384xf32, #tpu.memory_space<vmem>>[vector<16xi32>], vector<16xf32>, vector<16xi1>
          %and3A_135 = arith.andi %and3A, %unique3A : vector<16xi1>
          tpu.vector_store_idx %arg18[%and3A_121], %unique3A_122 masked %and3A_135 {add = true} : memref<16xi32, #tpu.memory_space<vmem>>[vector<16xi32>], vector<16xi32>, vector<16xi1>
          %and3A_136 = arith.constant 7 : i32
          %and3A_137 = arith.andi %scan3A_87, %and3A_136 : i32
          %eq3A_138 = arith.constant 0 : i32
          %eq3A_139 = arith.cmpi eq, %and3A_137, %eq3A_138 : i32
          %convert_element_type3A_140 = arith.extui %eq3A_139 : i1 to i32
          %cond3A_141 = arith.constant 0 : i32
          %cond3A_142 = arith.cmpi ne, %convert_element_type3A_140, %cond3A_141 : i32
          scf.if %cond3A_142 {
            %get3A_143 = arith.constant 0 : index
            %get3A_144 = tpu.vector_load %arg18[%get3A_143] {strides = array<i32>} : memref<16xi32, #tpu.memory_space<vmem>>, vector<16xi32>,
            %ge3A_145 = arith.constant 896 : i32
            %ge3A_146 = vector.broadcast %ge3A_145 : i32 to vector<16xi32>
            %ge3A_147 = arith.cmpi sge, %get3A_144, %ge3A_146 : vector<16xi32>
            %all_reduce_population_count3A = tpu.all_reduce %ge3A_147 {dim = 0 : i64, kind = #tpu.reduction_kind<sum>} : vector<16xi1> -> vector<16xi32>
            %slice3A = vector.extract_strided_slice %all_reduce_population_count3A {offsets = [0], sizes = [1], strides = [1]} : vector<16xi32> to vector<1xi32>
            %squeeze3A = vector.extract %slice3A[0] : i32 from vector<1xi32>
            %gt3A = arith.constant 0 : i32
            %gt3A_148 = arith.cmpi sgt, %squeeze3A, %gt3A : i32
            %convert_element_type3A_149 = arith.extui %gt3A_148 : i1 to i32
            %cond3A_150 = arith.constant 0 : i32
            %cond3A_151 = arith.cmpi ne, %convert_element_type3A_149, %cond3A_150 : i32
            scf.if %cond3A_151 {
              %scan3A_152 = arith.constant 0 : i32
              %scan3A_153 = arith.constant 16 : i32
              %scan3A_154 = arith.addi %scan3A_152, %scan3A_153 : i32
              %scan3A_155 = arith.constant 1 : i32
              scf.for %scan3A_157 = %scan3A_152 to %scan3A_154 step %scan3A_155  : i32 {
                %iota3A = tpu.iota {dimensions = array<i32: 0>} : vector<16xi32>
                %get3A_158 = arith.constant 0 : index
                %get3A_159 = tpu.vector_load %arg18[%get3A_158] {strides = array<i32>} : memref<16xi32, #tpu.memory_space<vmem>>, vector<16xi32>,
                %eq3A_160 = vector.broadcast %scan3A_157 : i32 to vector<16xi32>
                %eq3A_161 = arith.cmpi eq, %iota3A, %eq3A_160 : vector<16xi32>
                %jit3A = arith.constant 0 : i32
                %broadcast_in_dim3A_162 = vector.broadcast %jit3A : i32 to vector<16xi32>
                %select_n3A = arith.select %eq3A_161, %get3A_159, %broadcast_in_dim3A_162 : vector<16xi1>, vector<16xi32>
                %reduce_sum3A = arith.constant true
                %reduce_sum3A_163 = vector.broadcast %reduce_sum3A : i1 to vector<16xi1>
                %reduce_sum3A_164 = tpu.scan <sum>, %select_n3A masked %reduce_sum3A_163 : vector<16xi32>, vector<16xi1> -> vector<16xi32>
                %reduce_sum3A_165 = vector.extract %reduce_sum3A_164[15] : i32 from vector<16xi32>
                %add3A_166 = arith.constant 127 : i32
                %add3A_167 = arith.addi %reduce_sum3A_165, %add3A_166 : i32
                %shift_right_logical3A_168 = arith.constant 7 : i32
                %shift_right_logical3A_169 = arith.shrui %add3A_167, %shift_right_logical3A_168 : i32
                %shift_left3A = arith.constant 7 : i32
                %shift_left3A_170 = arith.shli %shift_right_logical3A_169, %shift_left3A : i32
                %broadcast_in_dim3A_171 = arith.constant 1 : i32
                %broadcast_in_dim3A_172 = vector.broadcast %broadcast_in_dim3A_171 : i32 to vector<16xi32>
                %mul3A_173 = arith.constant 65536 : i32
                %mul3A_174 = arith.muli %scan3A_157, %mul3A_173 : i32
                %mul3A_175 = vector.broadcast %mul3A_174 : i32 to vector<16xi32>
                %mul3A_176 = arith.muli %broadcast_in_dim3A_172, %mul3A_175 : vector<16xi32>
                %broadcast_in_dim3A_177 = arith.constant 0.000000e+00 : f32
                %broadcast_in_dim3A_178 = vector.broadcast %broadcast_in_dim3A_177 : f32 to vector<16xf32>
                %add3A_179 = arith.constant 0 : i32
                %add3A_180 = arith.addi %reduce_sum3A_165, %add3A_179 : i32
                %iota3A_181 = tpu.iota {dimensions = array<i32: 0>} : vector<16xi32>
                %add3A_182 = vector.broadcast %add3A_180 : i32 to vector<16xi32>
                %add3A_183 = arith.addi %add3A_182, %iota3A_181 : vector<16xi32>
                %lt3A_184 = vector.broadcast %shift_left3A_170 : i32 to vector<16xi32>
                %lt3A_185 = arith.cmpi slt, %add3A_183, %lt3A_184 : vector<16xi32>
                %mul3A_186 = arith.constant 1024 : i32
                %mul3A_187 = arith.muli %scan3A_157, %mul3A_186 : i32
                %add3A_188 = vector.broadcast %mul3A_187 : i32 to vector<16xi32>
                %add3A_189 = arith.addi %add3A_188, %add3A_183 : vector<16xi32>
                tpu.vector_store_idx %arg13[%add3A_189], %mul3A_176 masked %lt3A_185 : memref<16384xi32, #tpu.memory_space<vmem>>[vector<16xi32>], vector<16xi32>, vector<16xi1>
                %mul3A_190 = arith.constant 1024 : i32
                %mul3A_191 = arith.muli %scan3A_157, %mul3A_190 : i32
                %add3A_192 = vector.broadcast %mul3A_191 : i32 to vector<16xi32>
                %add3A_193 = arith.addi %add3A_192, %add3A_183 : vector<16xi32>
                tpu.vector_store_idx %arg14[%add3A_193], %broadcast_in_dim3A_178 masked %lt3A_185 : memref<16384xf32, #tpu.memory_space<vmem>>[vector<16xi32>], vector<16xf32>, vector<16xi1>
                %add3A_194 = arith.constant 16 : i32
                %add3A_195 = arith.addi %reduce_sum3A_165, %add3A_194 : i32
                %iota3A_196 = tpu.iota {dimensions = array<i32: 0>} : vector<16xi32>
                %add3A_197 = vector.broadcast %add3A_195 : i32 to vector<16xi32>
                %add3A_198 = arith.addi %add3A_197, %iota3A_196 : vector<16xi32>
                %lt3A_199 = vector.broadcast %shift_left3A_170 : i32 to vector<16xi32>
                %lt3A_200 = arith.cmpi slt, %add3A_198, %lt3A_199 : vector<16xi32>
                %mul3A_201 = arith.constant 1024 : i32
                %mul3A_202 = arith.muli %scan3A_157, %mul3A_201 : i32
                %add3A_203 = vector.broadcast %mul3A_202 : i32 to vector<16xi32>
                %add3A_204 = arith.addi %add3A_203, %add3A_198 : vector<16xi32>
                tpu.vector_store_idx %arg13[%add3A_204], %mul3A_176 masked %lt3A_200 : memref<16384xi32, #tpu.memory_space<vmem>>[vector<16xi32>], vector<16xi32>, vector<16xi1>
                %mul3A_205 = arith.constant 1024 : i32
                %mul3A_206 = arith.muli %scan3A_157, %mul3A_205 : i32
                %add3A_207 = vector.broadcast %mul3A_206 : i32 to vector<16xi32>
                %add3A_208 = arith.addi %add3A_207, %add3A_198 : vector<16xi32>
                tpu.vector_store_idx %arg14[%add3A_208], %broadcast_in_dim3A_178 masked %lt3A_200 : memref<16384xf32, #tpu.memory_space<vmem>>[vector<16xi32>], vector<16xf32>, vector<16xi1>
                %add3A_209 = arith.constant 32 : i32
                %add3A_210 = arith.addi %reduce_sum3A_165, %add3A_209 : i32
                %iota3A_211 = tpu.iota {dimensions = array<i32: 0>} : vector<16xi32>
                %add3A_212 = vector.broadcast %add3A_210 : i32 to vector<16xi32>
                %add3A_213 = arith.addi %add3A_212, %iota3A_211 : vector<16xi32>
                %lt3A_214 = vector.broadcast %shift_left3A_170 : i32 to vector<16xi32>
                %lt3A_215 = arith.cmpi slt, %add3A_213, %lt3A_214 : vector<16xi32>
                %mul3A_216 = arith.constant 1024 : i32
                %mul3A_217 = arith.muli %scan3A_157, %mul3A_216 : i32
                %add3A_218 = vector.broadcast %mul3A_217 : i32 to vector<16xi32>
                %add3A_219 = arith.addi %add3A_218, %add3A_213 : vector<16xi32>
                tpu.vector_store_idx %arg13[%add3A_219], %mul3A_176 masked %lt3A_215 : memref<16384xi32, #tpu.memory_space<vmem>>[vector<16xi32>], vector<16xi32>, vector<16xi1>
                %mul3A_220 = arith.constant 1024 : i32
                %mul3A_221 = arith.muli %scan3A_157, %mul3A_220 : i32
                %add3A_222 = vector.broadcast %mul3A_221 : i32 to vector<16xi32>
                %add3A_223 = arith.addi %add3A_222, %add3A_213 : vector<16xi32>
                tpu.vector_store_idx %arg14[%add3A_223], %broadcast_in_dim3A_178 masked %lt3A_215 : memref<16384xf32, #tpu.memory_space<vmem>>[vector<16xi32>], vector<16xf32>, vector<16xi1>
                %add3A_224 = arith.constant 48 : i32
                %add3A_225 = arith.addi %reduce_sum3A_165, %add3A_224 : i32
                %iota3A_226 = tpu.iota {dimensions = array<i32: 0>} : vector<16xi32>
                %add3A_227 = vector.broadcast %add3A_225 : i32 to vector<16xi32>
                %add3A_228 = arith.addi %add3A_227, %iota3A_226 : vector<16xi32>
                %lt3A_229 = vector.broadcast %shift_left3A_170 : i32 to vector<16xi32>
                %lt3A_230 = arith.cmpi slt, %add3A_228, %lt3A_229 : vector<16xi32>
                %mul3A_231 = arith.constant 1024 : i32
                %mul3A_232 = arith.muli %scan3A_157, %mul3A_231 : i32
                %add3A_233 = vector.broadcast %mul3A_232 : i32 to vector<16xi32>
                %add3A_234 = arith.addi %add3A_233, %add3A_228 : vector<16xi32>
                tpu.vector_store_idx %arg13[%add3A_234], %mul3A_176 masked %lt3A_230 : memref<16384xi32, #tpu.memory_space<vmem>>[vector<16xi32>], vector<16xi32>, vector<16xi1>
                %mul3A_235 = arith.constant 1024 : i32
                %mul3A_236 = arith.muli %scan3A_157, %mul3A_235 : i32
                %add3A_237 = vector.broadcast %mul3A_236 : i32 to vector<16xi32>
                %add3A_238 = arith.addi %add3A_237, %add3A_228 : vector<16xi32>
                tpu.vector_store_idx %arg14[%add3A_238], %broadcast_in_dim3A_178 masked %lt3A_230 : memref<16384xf32, #tpu.memory_space<vmem>>[vector<16xi32>], vector<16xf32>, vector<16xi1>
                %add3A_239 = arith.constant 64 : i32
                %add3A_240 = arith.addi %reduce_sum3A_165, %add3A_239 : i32
                %iota3A_241 = tpu.iota {dimensions = array<i32: 0>} : vector<16xi32>
                %add3A_242 = vector.broadcast %add3A_240 : i32 to vector<16xi32>
                %add3A_243 = arith.addi %add3A_242, %iota3A_241 : vector<16xi32>
                %lt3A_244 = vector.broadcast %shift_left3A_170 : i32 to vector<16xi32>
                %lt3A_245 = arith.cmpi slt, %add3A_243, %lt3A_244 : vector<16xi32>
                %mul3A_246 = arith.constant 1024 : i32
                %mul3A_247 = arith.muli %scan3A_157, %mul3A_246 : i32
                %add3A_248 = vector.broadcast %mul3A_247 : i32 to vector<16xi32>
                %add3A_249 = arith.addi %add3A_248, %add3A_243 : vector<16xi32>
                tpu.vector_store_idx %arg13[%add3A_249], %mul3A_176 masked %lt3A_245 : memref<16384xi32, #tpu.memory_space<vmem>>[vector<16xi32>], vector<16xi32>, vector<16xi1>
                %mul3A_250 = arith.constant 1024 : i32
                %mul3A_251 = arith.muli %scan3A_157, %mul3A_250 : i32
                %add3A_252 = vector.broadcast %mul3A_251 : i32 to vector<16xi32>
                %add3A_253 = arith.addi %add3A_252, %add3A_243 : vector<16xi32>
                tpu.vector_store_idx %arg14[%add3A_253], %broadcast_in_dim3A_178 masked %lt3A_245 : memref<16384xf32, #tpu.memory_space<vmem>>[vector<16xi32>], vector<16xf32>, vector<16xi1>
                %add3A_254 = arith.constant 80 : i32
                %add3A_255 = arith.addi %reduce_sum3A_165, %add3A_254 : i32
                %iota3A_256 = tpu.iota {dimensions = array<i32: 0>} : vector<16xi32>
                %add3A_257 = vector.broadcast %add3A_255 : i32 to vector<16xi32>
                %add3A_258 = arith.addi %add3A_257, %iota3A_256 : vector<16xi32>
                %lt3A_259 = vector.broadcast %shift_left3A_170 : i32 to vector<16xi32>
                %lt3A_260 = arith.cmpi slt, %add3A_258, %lt3A_259 : vector<16xi32>
                %mul3A_261 = arith.constant 1024 : i32
                %mul3A_262 = arith.muli %scan3A_157, %mul3A_261 : i32
                %add3A_263 = vector.broadcast %mul3A_262 : i32 to vector<16xi32>
                %add3A_264 = arith.addi %add3A_263, %add3A_258 : vector<16xi32>
                tpu.vector_store_idx %arg13[%add3A_264], %mul3A_176 masked %lt3A_260 : memref<16384xi32, #tpu.memory_space<vmem>>[vector<16xi32>], vector<16xi32>, vector<16xi1>
                %mul3A_265 = arith.constant 1024 : i32
                %mul3A_266 = arith.muli %scan3A_157, %mul3A_265 : i32
                %add3A_267 = vector.broadcast %mul3A_266 : i32 to vector<16xi32>
                %add3A_268 = arith.addi %add3A_267, %add3A_258 : vector<16xi32>
                tpu.vector_store_idx %arg14[%add3A_268], %broadcast_in_dim3A_178 masked %lt3A_260 : memref<16384xf32, #tpu.memory_space<vmem>>[vector<16xi32>], vector<16xf32>, vector<16xi1>
                %add3A_269 = arith.constant 96 : i32
                %add3A_270 = arith.addi %reduce_sum3A_165, %add3A_269 : i32
                %iota3A_271 = tpu.iota {dimensions = array<i32: 0>} : vector<16xi32>
                %add3A_272 = vector.broadcast %add3A_270 : i32 to vector<16xi32>
                %add3A_273 = arith.addi %add3A_272, %iota3A_271 : vector<16xi32>
                %lt3A_274 = vector.broadcast %shift_left3A_170 : i32 to vector<16xi32>
                %lt3A_275 = arith.cmpi slt, %add3A_273, %lt3A_274 : vector<16xi32>
                %mul3A_276 = arith.constant 1024 : i32
                %mul3A_277 = arith.muli %scan3A_157, %mul3A_276 : i32
                %add3A_278 = vector.broadcast %mul3A_277 : i32 to vector<16xi32>
                %add3A_279 = arith.addi %add3A_278, %add3A_273 : vector<16xi32>
                tpu.vector_store_idx %arg13[%add3A_279], %mul3A_176 masked %lt3A_275 : memref<16384xi32, #tpu.memory_space<vmem>>[vector<16xi32>], vector<16xi32>, vector<16xi1>
                %mul3A_280 = arith.constant 1024 : i32
                %mul3A_281 = arith.muli %scan3A_157, %mul3A_280 : i32
                %add3A_282 = vector.broadcast %mul3A_281 : i32 to vector<16xi32>
                %add3A_283 = arith.addi %add3A_282, %add3A_273 : vector<16xi32>
                tpu.vector_store_idx %arg14[%add3A_283], %broadcast_in_dim3A_178 masked %lt3A_275 : memref<16384xf32, #tpu.memory_space<vmem>>[vector<16xi32>], vector<16xf32>, vector<16xi1>
                %add3A_284 = arith.constant 112 : i32
                %add3A_285 = arith.addi %reduce_sum3A_165, %add3A_284 : i32
                %iota3A_286 = tpu.iota {dimensions = array<i32: 0>} : vector<16xi32>
                %add3A_287 = vector.broadcast %add3A_285 : i32 to vector<16xi32>
                %add3A_288 = arith.addi %add3A_287, %iota3A_286 : vector<16xi32>
                %lt3A_289 = vector.broadcast %shift_left3A_170 : i32 to vector<16xi32>
                %lt3A_290 = arith.cmpi slt, %add3A_288, %lt3A_289 : vector<16xi32>
                %mul3A_291 = arith.constant 1024 : i32
                %mul3A_292 = arith.muli %scan3A_157, %mul3A_291 : i32
                %add3A_293 = vector.broadcast %mul3A_292 : i32 to vector<16xi32>
                %add3A_294 = arith.addi %add3A_293, %add3A_288 : vector<16xi32>
                tpu.vector_store_idx %arg13[%add3A_294], %mul3A_176 masked %lt3A_290 : memref<16384xi32, #tpu.memory_space<vmem>>[vector<16xi32>], vector<16xi32>, vector<16xi1>
                %mul3A_295 = arith.constant 1024 : i32
                %mul3A_296 = arith.muli %scan3A_157, %mul3A_295 : i32
                %add3A_297 = vector.broadcast %mul3A_296 : i32 to vector<16xi32>
                %add3A_298 = arith.addi %add3A_297, %add3A_288 : vector<16xi32>
                tpu.vector_store_idx %arg14[%add3A_298], %broadcast_in_dim3A_178 masked %lt3A_290 : memref<16384xf32, #tpu.memory_space<vmem>>[vector<16xi32>], vector<16xf32>, vector<16xi1>
                %delay3A = arith.constant 200 : i32
                tpu.delay %delay3A
                %sc_fetch_and_add3A_299 = arith.constant 0 : i32
                %sc_fetch_and_add3A_300 = tpu.fetch_and_add_sync %arg19[%scan3A_157], %shift_left3A_170, %sc_fetch_and_add3A_299 : memref<16xi32, #tpu.memory_space<smem>>, i32 -> i32
                %mul3A_301 = arith.constant 16 : i32
                %mul3A_302 = arith.muli %arg0, %mul3A_301 : i32
                %add3A_303 = arith.addi %mul3A_302, %scan3A_157 : i32
                %mul3A_304 = arith.constant 2195456 : i32
                %mul3A_305 = arith.muli %add3A_303, %mul3A_304 : i32
                %add3A_306 = arith.addi %mul3A_305, %sc_fetch_and_add3A_300 : i32
                %multiple_of3A_307 = tpu.assume_multiple %add3A_306, 128 : i32
                %mul3A_308 = arith.constant 1024 : i32
                %mul3A_309 = arith.muli %scan3A_157, %mul3A_308 : i32
                %multiple_of3A_310 = tpu.assume_multiple %mul3A_309, 128 : i32
                %while3A_311 = arith.constant 0 : i32
                %while3A_312 = arith.constant 0 : i32
                %while3A_313 = arith.subi %shift_right_logical3A_169, %while3A_312 : i32
                %while3A_314 = arith.addi %while3A_312, %while3A_313 : i32
                %while3A_315 = arith.constant 1 : i32
                %while3A_316 = arith.divsi %while3A_313, %while3A_315 : i32
                %while3A_317 = arith.muli %while3A_316, %while3A_315 : i32
                %while3A_318 = arith.addi %while3A_312, %while3A_317 : i32
                %while3A_319 = arith.constant 1 : i32
                scf.for %while3A_329 = %while3A_312 to %while3A_318 step %while3A_319  : i32 {
                  %mul3A_330 = arith.constant 128 : i32
                  %mul3A_331 = arith.muli %while3A_329, %mul3A_330 : i32
                  %add3A_332 = arith.addi %multiple_of3A_307, %mul3A_331 : i32
                  %multiple_of3A_333 = tpu.assume_multiple %add3A_332, 128 : i32
                  %mul3A_334 = arith.constant 128 : i32
                  %mul3A_335 = arith.muli %while3A_329, %mul3A_334 : i32
                  %add3A_336 = arith.addi %multiple_of3A_310, %mul3A_335 : i32
                  %multiple_of3A_337 = tpu.assume_multiple %add3A_336, 128 : i32
                  "tpu.region"() ({
                    %run_scoped3A = tpu.sem_alloc : memref<!tpu.dma_semaphore, #tpu.memory_space<semaphore_mem>>
                    %dma_start3A = tpu.memref_slice %arg13[%multiple_of3A_337] : memref<16384xi32, #tpu.memory_space<vmem>> -> memref<128xi32, #tpu.memory_space<vmem>>
                    %dma_start3A_338 = tpu.memref_slice %arg6[%multiple_of3A_333] : memref<70254592xi32, #tpu.memory_space<hbm>> -> memref<128xi32, #tpu.memory_space<hbm>>
                    %dma_start3A_339 = tpu.memref_slice %arg6[%multiple_of3A_333] : memref<70254592xi32, #tpu.memory_space<hbm>> -> memref<128xi32, #tpu.memory_space<hbm>>
                    %dma_start3A_340 = tpu.memref_slice %arg13[%multiple_of3A_337] : memref<16384xi32, #tpu.memory_space<vmem>> -> memref<128xi32, #tpu.memory_space<vmem>>
                    tpu.enqueue_dma source(%dma_start3A_340 : memref<128xi32, #tpu.memory_space<vmem>>) target(%dma_start3A_339 : memref<128xi32, #tpu.memory_space<hbm>>) target_semaphore(%run_scoped3A : memref<!tpu.dma_semaphore, #tpu.memory_space<semaphore_mem>>)
                    %dma_wait3A = tpu.memref_slice %arg13[%multiple_of3A_337] : memref<16384xi32, #tpu.memory_space<vmem>> -> memref<128xi32, #tpu.memory_space<vmem>>
                    %dma_wait3A_341 = tpu.memref_slice %arg6[%multiple_of3A_333] : memref<70254592xi32, #tpu.memory_space<hbm>> -> memref<128xi32, #tpu.memory_space<hbm>>
                    %dma_wait3A_342 = tpu.memref_slice %arg6[%multiple_of3A_333] : memref<70254592xi32, #tpu.memory_space<hbm>> -> memref<128xi32, #tpu.memory_space<hbm>>
                    %dma_wait3A_343 = tpu.memref_slice %arg13[%multiple_of3A_337] : memref<16384xi32, #tpu.memory_space<vmem>> -> memref<128xi32, #tpu.memory_space<vmem>>
                    tpu.wait_dma2 semaphore(%run_scoped3A : memref<!tpu.dma_semaphore, #tpu.memory_space<semaphore_mem>>) src(%dma_wait3A_343 : memref<128xi32, #tpu.memory_space<vmem>>) dst(%dma_wait3A_342 : memref<128xi32, #tpu.memory_space<hbm>>)
                    tpu.yield
                  }) : () -> ()
                  "tpu.region"() ({
                    %run_scoped3A = tpu.sem_alloc : memref<!tpu.dma_semaphore, #tpu.memory_space<semaphore_mem>>
                    %dma_start3A = tpu.memref_slice %arg14[%multiple_of3A_337] : memref<16384xf32, #tpu.memory_space<vmem>> -> memref<128xf32, #tpu.memory_space<vmem>>
                    %dma_start3A_338 = tpu.memref_slice %arg7[%multiple_of3A_333] : memref<70254592xf32, #tpu.memory_space<hbm>> -> memref<128xf32, #tpu.memory_space<hbm>>
                    %dma_start3A_339 = tpu.memref_slice %arg7[%multiple_of3A_333] : memref<70254592xf32, #tpu.memory_space<hbm>> -> memref<128xf32, #tpu.memory_space<hbm>>
                    %dma_start3A_340 = tpu.memref_slice %arg14[%multiple_of3A_337] : memref<16384xf32, #tpu.memory_space<vmem>> -> memref<128xf32, #tpu.memory_space<vmem>>
                    tpu.enqueue_dma source(%dma_start3A_340 : memref<128xf32, #tpu.memory_space<vmem>>) target(%dma_start3A_339 : memref<128xf32, #tpu.memory_space<hbm>>) target_semaphore(%run_scoped3A : memref<!tpu.dma_semaphore, #tpu.memory_space<semaphore_mem>>)
                    %dma_wait3A = tpu.memref_slice %arg14[%multiple_of3A_337] : memref<16384xf32, #tpu.memory_space<vmem>> -> memref<128xf32, #tpu.memory_space<vmem>>
                    %dma_wait3A_341 = tpu.memref_slice %arg7[%multiple_of3A_333] : memref<70254592xf32, #tpu.memory_space<hbm>> -> memref<128xf32, #tpu.memory_space<hbm>>
                    %dma_wait3A_342 = tpu.memref_slice %arg7[%multiple_of3A_333] : memref<70254592xf32, #tpu.memory_space<hbm>> -> memref<128xf32, #tpu.memory_space<hbm>>
                    %dma_wait3A_343 = tpu.memref_slice %arg14[%multiple_of3A_337] : memref<16384xf32, #tpu.memory_space<vmem>> -> memref<128xf32, #tpu.memory_space<vmem>>
                    tpu.wait_dma2 semaphore(%run_scoped3A : memref<!tpu.dma_semaphore, #tpu.memory_space<semaphore_mem>>) src(%dma_wait3A_343 : memref<128xf32, #tpu.memory_space<vmem>>) dst(%dma_wait3A_342 : memref<128xf32, #tpu.memory_space<hbm>>)
                    tpu.yield
                  }) : () -> ()
                }
                %while3A_320 = arith.constant 1 : i32
                scf.for %while3A_329 = %while3A_318 to %while3A_314 step %while3A_320  : i32 {
                  %mul3A_330 = arith.constant 128 : i32
                  %mul3A_331 = arith.muli %while3A_329, %mul3A_330 : i32
                  %add3A_332 = arith.addi %multiple_of3A_307, %mul3A_331 : i32
                  %multiple_of3A_333 = tpu.assume_multiple %add3A_332, 128 : i32
                  %mul3A_334 = arith.constant 128 : i32
                  %mul3A_335 = arith.muli %while3A_329, %mul3A_334 : i32
                  %add3A_336 = arith.addi %multiple_of3A_310, %mul3A_335 : i32
                  %multiple_of3A_337 = tpu.assume_multiple %add3A_336, 128 : i32
                  "tpu.region"() ({
                    %run_scoped3A = tpu.sem_alloc : memref<!tpu.dma_semaphore, #tpu.memory_space<semaphore_mem>>
                    %dma_start3A = tpu.memref_slice %arg13[%multiple_of3A_337] : memref<16384xi32, #tpu.memory_space<vmem>> -> memref<128xi32, #tpu.memory_space<vmem>>
                    %dma_start3A_338 = tpu.memref_slice %arg6[%multiple_of3A_333] : memref<70254592xi32, #tpu.memory_space<hbm>> -> memref<128xi32, #tpu.memory_space<hbm>>
                    %dma_start3A_339 = tpu.memref_slice %arg6[%multiple_of3A_333] : memref<70254592xi32, #tpu.memory_space<hbm>> -> memref<128xi32, #tpu.memory_space<hbm>>
                    %dma_start3A_340 = tpu.memref_slice %arg13[%multiple_of3A_337] : memref<16384xi32, #tpu.memory_space<vmem>> -> memref<128xi32, #tpu.memory_space<vmem>>
                    tpu.enqueue_dma source(%dma_start3A_340 : memref<128xi32, #tpu.memory_space<vmem>>) target(%dma_start3A_339 : memref<128xi32, #tpu.memory_space<hbm>>) target_semaphore(%run_scoped3A : memref<!tpu.dma_semaphore, #tpu.memory_space<semaphore_mem>>)
                    %dma_wait3A = tpu.memref_slice %arg13[%multiple_of3A_337] : memref<16384xi32, #tpu.memory_space<vmem>> -> memref<128xi32, #tpu.memory_space<vmem>>
                    %dma_wait3A_341 = tpu.memref_slice %arg6[%multiple_of3A_333] : memref<70254592xi32, #tpu.memory_space<hbm>> -> memref<128xi32, #tpu.memory_space<hbm>>
                    %dma_wait3A_342 = tpu.memref_slice %arg6[%multiple_of3A_333] : memref<70254592xi32, #tpu.memory_space<hbm>> -> memref<128xi32, #tpu.memory_space<hbm>>
                    %dma_wait3A_343 = tpu.memref_slice %arg13[%multiple_of3A_337] : memref<16384xi32, #tpu.memory_space<vmem>> -> memref<128xi32, #tpu.memory_space<vmem>>
                    tpu.wait_dma2 semaphore(%run_scoped3A : memref<!tpu.dma_semaphore, #tpu.memory_space<semaphore_mem>>) src(%dma_wait3A_343 : memref<128xi32, #tpu.memory_space<vmem>>) dst(%dma_wait3A_342 : memref<128xi32, #tpu.memory_space<hbm>>)
                    tpu.yield
                  }) : () -> ()
                  "tpu.region"() ({
                    %run_scoped3A = tpu.sem_alloc : memref<!tpu.dma_semaphore, #tpu.memory_space<semaphore_mem>>
                    %dma_start3A = tpu.memref_slice %arg14[%multiple_of3A_337] : memref<16384xf32, #tpu.memory_space<vmem>> -> memref<128xf32, #tpu.memory_space<vmem>>
                    %dma_start3A_338 = tpu.memref_slice %arg7[%multiple_of3A_333] : memref<70254592xf32, #tpu.memory_space<hbm>> -> memref<128xf32, #tpu.memory_space<hbm>>
                    %dma_start3A_339 = tpu.memref_slice %arg7[%multiple_of3A_333] : memref<70254592xf32, #tpu.memory_space<hbm>> -> memref<128xf32, #tpu.memory_space<hbm>>
                    %dma_start3A_340 = tpu.memref_slice %arg14[%multiple_of3A_337] : memref<16384xf32, #tpu.memory_space<vmem>> -> memref<128xf32, #tpu.memory_space<vmem>>
                    tpu.enqueue_dma source(%dma_start3A_340 : memref<128xf32, #tpu.memory_space<vmem>>) target(%dma_start3A_339 : memref<128xf32, #tpu.memory_space<hbm>>) target_semaphore(%run_scoped3A : memref<!tpu.dma_semaphore, #tpu.memory_space<semaphore_mem>>)
                    %dma_wait3A = tpu.memref_slice %arg14[%multiple_of3A_337] : memref<16384xf32, #tpu.memory_space<vmem>> -> memref<128xf32, #tpu.memory_space<vmem>>
                    %dma_wait3A_341 = tpu.memref_slice %arg7[%multiple_of3A_333] : memref<70254592xf32, #tpu.memory_space<hbm>> -> memref<128xf32, #tpu.memory_space<hbm>>
                    %dma_wait3A_342 = tpu.memref_slice %arg7[%multiple_of3A_333] : memref<70254592xf32, #tpu.memory_space<hbm>> -> memref<128xf32, #tpu.memory_space<hbm>>
                    %dma_wait3A_343 = tpu.memref_slice %arg14[%multiple_of3A_337] : memref<16384xf32, #tpu.memory_space<vmem>> -> memref<128xf32, #tpu.memory_space<vmem>>
                    tpu.wait_dma2 semaphore(%run_scoped3A : memref<!tpu.dma_semaphore, #tpu.memory_space<semaphore_mem>>) src(%dma_wait3A_343 : memref<128xf32, #tpu.memory_space<vmem>>) dst(%dma_wait3A_342 : memref<128xf32, #tpu.memory_space<hbm>>)
                    tpu.yield
                  }) : () -> ()
                }
                %iota3A_321 = tpu.iota {dimensions = array<i32: 0>} : vector<16xi32>
                %eq3A_322 = vector.broadcast %scan3A_157 : i32 to vector<16xi32>
                %eq3A_323 = arith.cmpi eq, %iota3A_321, %eq3A_322 : vector<16xi32>
                %jit3A_324 = arith.constant 0 : i32
                %broadcast_in_dim3A_325 = vector.broadcast %jit3A_324 : i32 to vector<16xi32>
                %select_n3A_326 = arith.select %eq3A_323, %broadcast_in_dim3A_325, %get3A_159 : vector<16xi1>, vector<16xi32>
                %swap3A_327 = arith.constant 0 : index
                %swap3A_328 = tpu.vector_load %arg18[%swap3A_327] {strides = array<i32>} : memref<16xi32, #tpu.memory_space<vmem>>, vector<16xi32>,
                tpu.vector_store %arg18[%swap3A_327], %select_n3A_326 {strides = array<i32>} : memref<16xi32, #tpu.memory_space<vmem>>, vector<16xi32>,
              }
              %scan3A_156 = arith.constant 16 : i32
            } else {
            }
          } else {
          }
        }
        %scan3A_86 = arith.constant 128 : i32
      }
      %scan3A_32 = arith.constant 52 : i32
      %scan3A_33 = arith.constant 0 : i32
      %scan3A_34 = arith.constant 0 : i32
      %scan3A_35 = arith.constant 16 : i32
      %scan3A_36 = arith.addi %scan3A_34, %scan3A_35 : i32
      %scan3A_37 = arith.constant 1 : i32
      scf.for %scan3A_78 = %scan3A_34 to %scan3A_36 step %scan3A_37  : i32 {
        %iota3A = tpu.iota {dimensions = array<i32: 0>} : vector<16xi32>
        %get3A = arith.constant 0 : index
        %get3A_79 = tpu.vector_load %arg18[%get3A] {strides = array<i32>} : memref<16xi32, #tpu.memory_space<vmem>>, vector<16xi32>,
        %eq3A_80 = vector.broadcast %scan3A_78 : i32 to vector<16xi32>
        %eq3A_81 = arith.cmpi eq, %iota3A, %eq3A_80 : vector<16xi32>
        %jit3A = arith.constant 0 : i32
        %broadcast_in_dim3A_82 = vector.broadcast %jit3A : i32 to vector<16xi32>
        %select_n3A = arith.select %eq3A_81, %get3A_79, %broadcast_in_dim3A_82 : vector<16xi1>, vector<16xi32>
        %reduce_sum3A = arith.constant true
        %reduce_sum3A_83 = vector.broadcast %reduce_sum3A : i1 to vector<16xi1>
        %reduce_sum3A_84 = tpu.scan <sum>, %select_n3A masked %reduce_sum3A_83 : vector<16xi32>, vector<16xi1> -> vector<16xi32>
        %reduce_sum3A_85 = vector.extract %reduce_sum3A_84[15] : i32 from vector<16xi32>
        %add3A_86 = arith.constant 127 : i32
        %add3A_87 = arith.addi %reduce_sum3A_85, %add3A_86 : i32
        %shift_right_logical3A_88 = arith.constant 7 : i32
        %shift_right_logical3A_89 = arith.shrui %add3A_87, %shift_right_logical3A_88 : i32
        %shift_left3A = arith.constant 7 : i32
        %shift_left3A_90 = arith.shli %shift_right_logical3A_89, %shift_left3A : i32
        %broadcast_in_dim3A_91 = arith.constant 1 : i32
        %broadcast_in_dim3A_92 = vector.broadcast %broadcast_in_dim3A_91 : i32 to vector<16xi32>
        %mul3A_93 = arith.constant 65536 : i32
        %mul3A_94 = arith.muli %scan3A_78, %mul3A_93 : i32
        %mul3A_95 = vector.broadcast %mul3A_94 : i32 to vector<16xi32>
        %mul3A_96 = arith.muli %broadcast_in_dim3A_92, %mul3A_95 : vector<16xi32>
        %broadcast_in_dim3A_97 = arith.constant 0.000000e+00 : f32
        %broadcast_in_dim3A_98 = vector.broadcast %broadcast_in_dim3A_97 : f32 to vector<16xf32>
        %add3A_99 = arith.constant 0 : i32
        %add3A_100 = arith.addi %reduce_sum3A_85, %add3A_99 : i32
        %iota3A_101 = tpu.iota {dimensions = array<i32: 0>} : vector<16xi32>
        %add3A_102 = vector.broadcast %add3A_100 : i32 to vector<16xi32>
        %add3A_103 = arith.addi %add3A_102, %iota3A_101 : vector<16xi32>
        %lt3A = vector.broadcast %shift_left3A_90 : i32 to vector<16xi32>
        %lt3A_104 = arith.cmpi slt, %add3A_103, %lt3A : vector<16xi32>
        %mul3A_105 = arith.constant 1024 : i32
        %mul3A_106 = arith.muli %scan3A_78, %mul3A_105 : i32
        %add3A_107 = vector.broadcast %mul3A_106 : i32 to vector<16xi32>
        %add3A_108 = arith.addi %add3A_107, %add3A_103 : vector<16xi32>
        tpu.vector_store_idx %arg13[%add3A_108], %mul3A_96 masked %lt3A_104 : memref<16384xi32, #tpu.memory_space<vmem>>[vector<16xi32>], vector<16xi32>, vector<16xi1>
        %mul3A_109 = arith.constant 1024 : i32
        %mul3A_110 = arith.muli %scan3A_78, %mul3A_109 : i32
        %add3A_111 = vector.broadcast %mul3A_110 : i32 to vector<16xi32>
        %add3A_112 = arith.addi %add3A_111, %add3A_103 : vector<16xi32>
        tpu.vector_store_idx %arg14[%add3A_112], %broadcast_in_dim3A_98 masked %lt3A_104 : memref<16384xf32, #tpu.memory_space<vmem>>[vector<16xi32>], vector<16xf32>, vector<16xi1>
        %add3A_113 = arith.constant 16 : i32
        %add3A_114 = arith.addi %reduce_sum3A_85, %add3A_113 : i32
        %iota3A_115 = tpu.iota {dimensions = array<i32: 0>} : vector<16xi32>
        %add3A_116 = vector.broadcast %add3A_114 : i32 to vector<16xi32>
        %add3A_117 = arith.addi %add3A_116, %iota3A_115 : vector<16xi32>
        %lt3A_118 = vector.broadcast %shift_left3A_90 : i32 to vector<16xi32>
        %lt3A_119 = arith.cmpi slt, %add3A_117, %lt3A_118 : vector<16xi32>
        %mul3A_120 = arith.constant 1024 : i32
        %mul3A_121 = arith.muli %scan3A_78, %mul3A_120 : i32
        %add3A_122 = vector.broadcast %mul3A_121 : i32 to vector<16xi32>
        %add3A_123 = arith.addi %add3A_122, %add3A_117 : vector<16xi32>
        tpu.vector_store_idx %arg13[%add3A_123], %mul3A_96 masked %lt3A_119 : memref<16384xi32, #tpu.memory_space<vmem>>[vector<16xi32>], vector<16xi32>, vector<16xi1>
        %mul3A_124 = arith.constant 1024 : i32
        %mul3A_125 = arith.muli %scan3A_78, %mul3A_124 : i32
        %add3A_126 = vector.broadcast %mul3A_125 : i32 to vector<16xi32>
        %add3A_127 = arith.addi %add3A_126, %add3A_117 : vector<16xi32>
        tpu.vector_store_idx %arg14[%add3A_127], %broadcast_in_dim3A_98 masked %lt3A_119 : memref<16384xf32, #tpu.memory_space<vmem>>[vector<16xi32>], vector<16xf32>, vector<16xi1>
        %add3A_128 = arith.constant 32 : i32
        %add3A_129 = arith.addi %reduce_sum3A_85, %add3A_128 : i32
        %iota3A_130 = tpu.iota {dimensions = array<i32: 0>} : vector<16xi32>
        %add3A_131 = vector.broadcast %add3A_129 : i32 to vector<16xi32>
        %add3A_132 = arith.addi %add3A_131, %iota3A_130 : vector<16xi32>
        %lt3A_133 = vector.broadcast %shift_left3A_90 : i32 to vector<16xi32>
        %lt3A_134 = arith.cmpi slt, %add3A_132, %lt3A_133 : vector<16xi32>
        %mul3A_135 = arith.constant 1024 : i32
        %mul3A_136 = arith.muli %scan3A_78, %mul3A_135 : i32
        %add3A_137 = vector.broadcast %mul3A_136 : i32 to vector<16xi32>
        %add3A_138 = arith.addi %add3A_137, %add3A_132 : vector<16xi32>
        tpu.vector_store_idx %arg13[%add3A_138], %mul3A_96 masked %lt3A_134 : memref<16384xi32, #tpu.memory_space<vmem>>[vector<16xi32>], vector<16xi32>, vector<16xi1>
        %mul3A_139 = arith.constant 1024 : i32
        %mul3A_140 = arith.muli %scan3A_78, %mul3A_139 : i32
        %add3A_141 = vector.broadcast %mul3A_140 : i32 to vector<16xi32>
        %add3A_142 = arith.addi %add3A_141, %add3A_132 : vector<16xi32>
        tpu.vector_store_idx %arg14[%add3A_142], %broadcast_in_dim3A_98 masked %lt3A_134 : memref<16384xf32, #tpu.memory_space<vmem>>[vector<16xi32>], vector<16xf32>, vector<16xi1>
        %add3A_143 = arith.constant 48 : i32
        %add3A_144 = arith.addi %reduce_sum3A_85, %add3A_143 : i32
        %iota3A_145 = tpu.iota {dimensions = array<i32: 0>} : vector<16xi32>
        %add3A_146 = vector.broadcast %add3A_144 : i32 to vector<16xi32>
        %add3A_147 = arith.addi %add3A_146, %iota3A_145 : vector<16xi32>
        %lt3A_148 = vector.broadcast %shift_left3A_90 : i32 to vector<16xi32>
        %lt3A_149 = arith.cmpi slt, %add3A_147, %lt3A_148 : vector<16xi32>
        %mul3A_150 = arith.constant 1024 : i32
        %mul3A_151 = arith.muli %scan3A_78, %mul3A_150 : i32
        %add3A_152 = vector.broadcast %mul3A_151 : i32 to vector<16xi32>
        %add3A_153 = arith.addi %add3A_152, %add3A_147 : vector<16xi32>
        tpu.vector_store_idx %arg13[%add3A_153], %mul3A_96 masked %lt3A_149 : memref<16384xi32, #tpu.memory_space<vmem>>[vector<16xi32>], vector<16xi32>, vector<16xi1>
        %mul3A_154 = arith.constant 1024 : i32
        %mul3A_155 = arith.muli %scan3A_78, %mul3A_154 : i32
        %add3A_156 = vector.broadcast %mul3A_155 : i32 to vector<16xi32>
        %add3A_157 = arith.addi %add3A_156, %add3A_147 : vector<16xi32>
        tpu.vector_store_idx %arg14[%add3A_157], %broadcast_in_dim3A_98 masked %lt3A_149 : memref<16384xf32, #tpu.memory_space<vmem>>[vector<16xi32>], vector<16xf32>, vector<16xi1>
        %add3A_158 = arith.constant 64 : i32
        %add3A_159 = arith.addi %reduce_sum3A_85, %add3A_158 : i32
        %iota3A_160 = tpu.iota {dimensions = array<i32: 0>} : vector<16xi32>
        %add3A_161 = vector.broadcast %add3A_159 : i32 to vector<16xi32>
        %add3A_162 = arith.addi %add3A_161, %iota3A_160 : vector<16xi32>
        %lt3A_163 = vector.broadcast %shift_left3A_90 : i32 to vector<16xi32>
        %lt3A_164 = arith.cmpi slt, %add3A_162, %lt3A_163 : vector<16xi32>
        %mul3A_165 = arith.constant 1024 : i32
        %mul3A_166 = arith.muli %scan3A_78, %mul3A_165 : i32
        %add3A_167 = vector.broadcast %mul3A_166 : i32 to vector<16xi32>
        %add3A_168 = arith.addi %add3A_167, %add3A_162 : vector<16xi32>
        tpu.vector_store_idx %arg13[%add3A_168], %mul3A_96 masked %lt3A_164 : memref<16384xi32, #tpu.memory_space<vmem>>[vector<16xi32>], vector<16xi32>, vector<16xi1>
        %mul3A_169 = arith.constant 1024 : i32
        %mul3A_170 = arith.muli %scan3A_78, %mul3A_169 : i32
        %add3A_171 = vector.broadcast %mul3A_170 : i32 to vector<16xi32>
        %add3A_172 = arith.addi %add3A_171, %add3A_162 : vector<16xi32>
        tpu.vector_store_idx %arg14[%add3A_172], %broadcast_in_dim3A_98 masked %lt3A_164 : memref<16384xf32, #tpu.memory_space<vmem>>[vector<16xi32>], vector<16xf32>, vector<16xi1>
        %add3A_173 = arith.constant 80 : i32
        %add3A_174 = arith.addi %reduce_sum3A_85, %add3A_173 : i32
        %iota3A_175 = tpu.iota {dimensions = array<i32: 0>} : vector<16xi32>
        %add3A_176 = vector.broadcast %add3A_174 : i32 to vector<16xi32>
        %add3A_177 = arith.addi %add3A_176, %iota3A_175 : vector<16xi32>
        %lt3A_178 = vector.broadcast %shift_left3A_90 : i32 to vector<16xi32>
        %lt3A_179 = arith.cmpi slt, %add3A_177, %lt3A_178 : vector<16xi32>
        %mul3A_180 = arith.constant 1024 : i32
        %mul3A_181 = arith.muli %scan3A_78, %mul3A_180 : i32
        %add3A_182 = vector.broadcast %mul3A_181 : i32 to vector<16xi32>
        %add3A_183 = arith.addi %add3A_182, %add3A_177 : vector<16xi32>
        tpu.vector_store_idx %arg13[%add3A_183], %mul3A_96 masked %lt3A_179 : memref<16384xi32, #tpu.memory_space<vmem>>[vector<16xi32>], vector<16xi32>, vector<16xi1>
        %mul3A_184 = arith.constant 1024 : i32
        %mul3A_185 = arith.muli %scan3A_78, %mul3A_184 : i32
        %add3A_186 = vector.broadcast %mul3A_185 : i32 to vector<16xi32>
        %add3A_187 = arith.addi %add3A_186, %add3A_177 : vector<16xi32>
        tpu.vector_store_idx %arg14[%add3A_187], %broadcast_in_dim3A_98 masked %lt3A_179 : memref<16384xf32, #tpu.memory_space<vmem>>[vector<16xi32>], vector<16xf32>, vector<16xi1>
        %add3A_188 = arith.constant 96 : i32
        %add3A_189 = arith.addi %reduce_sum3A_85, %add3A_188 : i32
        %iota3A_190 = tpu.iota {dimensions = array<i32: 0>} : vector<16xi32>
        %add3A_191 = vector.broadcast %add3A_189 : i32 to vector<16xi32>
        %add3A_192 = arith.addi %add3A_191, %iota3A_190 : vector<16xi32>
        %lt3A_193 = vector.broadcast %shift_left3A_90 : i32 to vector<16xi32>
        %lt3A_194 = arith.cmpi slt, %add3A_192, %lt3A_193 : vector<16xi32>
        %mul3A_195 = arith.constant 1024 : i32
        %mul3A_196 = arith.muli %scan3A_78, %mul3A_195 : i32
        %add3A_197 = vector.broadcast %mul3A_196 : i32 to vector<16xi32>
        %add3A_198 = arith.addi %add3A_197, %add3A_192 : vector<16xi32>
        tpu.vector_store_idx %arg13[%add3A_198], %mul3A_96 masked %lt3A_194 : memref<16384xi32, #tpu.memory_space<vmem>>[vector<16xi32>], vector<16xi32>, vector<16xi1>
        %mul3A_199 = arith.constant 1024 : i32
        %mul3A_200 = arith.muli %scan3A_78, %mul3A_199 : i32
        %add3A_201 = vector.broadcast %mul3A_200 : i32 to vector<16xi32>
        %add3A_202 = arith.addi %add3A_201, %add3A_192 : vector<16xi32>
        tpu.vector_store_idx %arg14[%add3A_202], %broadcast_in_dim3A_98 masked %lt3A_194 : memref<16384xf32, #tpu.memory_space<vmem>>[vector<16xi32>], vector<16xf32>, vector<16xi1>
        %add3A_203 = arith.constant 112 : i32
        %add3A_204 = arith.addi %reduce_sum3A_85, %add3A_203 : i32
        %iota3A_205 = tpu.iota {dimensions = array<i32: 0>} : vector<16xi32>
        %add3A_206 = vector.broadcast %add3A_204 : i32 to vector<16xi32>
        %add3A_207 = arith.addi %add3A_206, %iota3A_205 : vector<16xi32>
        %lt3A_208 = vector.broadcast %shift_left3A_90 : i32 to vector<16xi32>
        %lt3A_209 = arith.cmpi slt, %add3A_207, %lt3A_208 : vector<16xi32>
        %mul3A_210 = arith.constant 1024 : i32
        %mul3A_211 = arith.muli %scan3A_78, %mul3A_210 : i32
        %add3A_212 = vector.broadcast %mul3A_211 : i32 to vector<16xi32>
        %add3A_213 = arith.addi %add3A_212, %add3A_207 : vector<16xi32>
        tpu.vector_store_idx %arg13[%add3A_213], %mul3A_96 masked %lt3A_209 : memref<16384xi32, #tpu.memory_space<vmem>>[vector<16xi32>], vector<16xi32>, vector<16xi1>
        %mul3A_214 = arith.constant 1024 : i32
        %mul3A_215 = arith.muli %scan3A_78, %mul3A_214 : i32
        %add3A_216 = vector.broadcast %mul3A_215 : i32 to vector<16xi32>
        %add3A_217 = arith.addi %add3A_216, %add3A_207 : vector<16xi32>
        tpu.vector_store_idx %arg14[%add3A_217], %broadcast_in_dim3A_98 masked %lt3A_209 : memref<16384xf32, #tpu.memory_space<vmem>>[vector<16xi32>], vector<16xf32>, vector<16xi1>
        %delay3A = arith.constant 200 : i32
        tpu.delay %delay3A
        %sc_fetch_and_add3A_218 = arith.constant 0 : i32
        %sc_fetch_and_add3A_219 = tpu.fetch_and_add_sync %arg19[%scan3A_78], %shift_left3A_90, %sc_fetch_and_add3A_218 : memref<16xi32, #tpu.memory_space<smem>>, i32 -> i32
        %mul3A_220 = arith.constant 16 : i32
        %mul3A_221 = arith.muli %arg0, %mul3A_220 : i32
        %add3A_222 = arith.addi %mul3A_221, %scan3A_78 : i32
        %mul3A_223 = arith.constant 2195456 : i32
        %mul3A_224 = arith.muli %add3A_222, %mul3A_223 : i32
        %add3A_225 = arith.addi %mul3A_224, %sc_fetch_and_add3A_219 : i32
        %multiple_of3A_226 = tpu.assume_multiple %add3A_225, 128 : i32
        %mul3A_227 = arith.constant 1024 : i32
        %mul3A_228 = arith.muli %scan3A_78, %mul3A_227 : i32
        %multiple_of3A_229 = tpu.assume_multiple %mul3A_228, 128 : i32
        %while3A_230 = arith.constant 0 : i32
        %while3A_231 = arith.constant 0 : i32
        %while3A_232 = arith.subi %shift_right_logical3A_89, %while3A_231 : i32
        %while3A_233 = arith.addi %while3A_231, %while3A_232 : i32
        %while3A_234 = arith.constant 1 : i32
        %while3A_235 = arith.divsi %while3A_232, %while3A_234 : i32
        %while3A_236 = arith.muli %while3A_235, %while3A_234 : i32
        %while3A_237 = arith.addi %while3A_231, %while3A_236 : i32
        %while3A_238 = arith.constant 1 : i32
        scf.for %while3A_248 = %while3A_231 to %while3A_237 step %while3A_238  : i32 {
          %mul3A_249 = arith.constant 128 : i32
          %mul3A_250 = arith.muli %while3A_248, %mul3A_249 : i32
          %add3A_251 = arith.addi %multiple_of3A_226, %mul3A_250 : i32
          %multiple_of3A_252 = tpu.assume_multiple %add3A_251, 128 : i32
          %mul3A_253 = arith.constant 128 : i32
          %mul3A_254 = arith.muli %while3A_248, %mul3A_253 : i32
          %add3A_255 = arith.addi %multiple_of3A_229, %mul3A_254 : i32
          %multiple_of3A_256 = tpu.assume_multiple %add3A_255, 128 : i32
          "tpu.region"() ({
            %run_scoped3A = tpu.sem_alloc : memref<!tpu.dma_semaphore, #tpu.memory_space<semaphore_mem>>
            %dma_start3A = tpu.memref_slice %arg13[%multiple_of3A_256] : memref<16384xi32, #tpu.memory_space<vmem>> -> memref<128xi32, #tpu.memory_space<vmem>>
            %dma_start3A_257 = tpu.memref_slice %arg6[%multiple_of3A_252] : memref<70254592xi32, #tpu.memory_space<hbm>> -> memref<128xi32, #tpu.memory_space<hbm>>
            %dma_start3A_258 = tpu.memref_slice %arg6[%multiple_of3A_252] : memref<70254592xi32, #tpu.memory_space<hbm>> -> memref<128xi32, #tpu.memory_space<hbm>>
            %dma_start3A_259 = tpu.memref_slice %arg13[%multiple_of3A_256] : memref<16384xi32, #tpu.memory_space<vmem>> -> memref<128xi32, #tpu.memory_space<vmem>>
            tpu.enqueue_dma source(%dma_start3A_259 : memref<128xi32, #tpu.memory_space<vmem>>) target(%dma_start3A_258 : memref<128xi32, #tpu.memory_space<hbm>>) target_semaphore(%run_scoped3A : memref<!tpu.dma_semaphore, #tpu.memory_space<semaphore_mem>>)
            %dma_wait3A = tpu.memref_slice %arg13[%multiple_of3A_256] : memref<16384xi32, #tpu.memory_space<vmem>> -> memref<128xi32, #tpu.memory_space<vmem>>
            %dma_wait3A_260 = tpu.memref_slice %arg6[%multiple_of3A_252] : memref<70254592xi32, #tpu.memory_space<hbm>> -> memref<128xi32, #tpu.memory_space<hbm>>
            %dma_wait3A_261 = tpu.memref_slice %arg6[%multiple_of3A_252] : memref<70254592xi32, #tpu.memory_space<hbm>> -> memref<128xi32, #tpu.memory_space<hbm>>
            %dma_wait3A_262 = tpu.memref_slice %arg13[%multiple_of3A_256] : memref<16384xi32, #tpu.memory_space<vmem>> -> memref<128xi32, #tpu.memory_space<vmem>>
            tpu.wait_dma2 semaphore(%run_scoped3A : memref<!tpu.dma_semaphore, #tpu.memory_space<semaphore_mem>>) src(%dma_wait3A_262 : memref<128xi32, #tpu.memory_space<vmem>>) dst(%dma_wait3A_261 : memref<128xi32, #tpu.memory_space<hbm>>)
            tpu.yield
          }) : () -> ()
          "tpu.region"() ({
            %run_scoped3A = tpu.sem_alloc : memref<!tpu.dma_semaphore, #tpu.memory_space<semaphore_mem>>
            %dma_start3A = tpu.memref_slice %arg14[%multiple_of3A_256] : memref<16384xf32, #tpu.memory_space<vmem>> -> memref<128xf32, #tpu.memory_space<vmem>>
            %dma_start3A_257 = tpu.memref_slice %arg7[%multiple_of3A_252] : memref<70254592xf32, #tpu.memory_space<hbm>> -> memref<128xf32, #tpu.memory_space<hbm>>
            %dma_start3A_258 = tpu.memref_slice %arg7[%multiple_of3A_252] : memref<70254592xf32, #tpu.memory_space<hbm>> -> memref<128xf32, #tpu.memory_space<hbm>>
            %dma_start3A_259 = tpu.memref_slice %arg14[%multiple_of3A_256] : memref<16384xf32, #tpu.memory_space<vmem>> -> memref<128xf32, #tpu.memory_space<vmem>>
            tpu.enqueue_dma source(%dma_start3A_259 : memref<128xf32, #tpu.memory_space<vmem>>) target(%dma_start3A_258 : memref<128xf32, #tpu.memory_space<hbm>>) target_semaphore(%run_scoped3A : memref<!tpu.dma_semaphore, #tpu.memory_space<semaphore_mem>>)
            %dma_wait3A = tpu.memref_slice %arg14[%multiple_of3A_256] : memref<16384xf32, #tpu.memory_space<vmem>> -> memref<128xf32, #tpu.memory_space<vmem>>
            %dma_wait3A_260 = tpu.memref_slice %arg7[%multiple_of3A_252] : memref<70254592xf32, #tpu.memory_space<hbm>> -> memref<128xf32, #tpu.memory_space<hbm>>
            %dma_wait3A_261 = tpu.memref_slice %arg7[%multiple_of3A_252] : memref<70254592xf32, #tpu.memory_space<hbm>> -> memref<128xf32, #tpu.memory_space<hbm>>
            %dma_wait3A_262 = tpu.memref_slice %arg14[%multiple_of3A_256] : memref<16384xf32, #tpu.memory_space<vmem>> -> memref<128xf32, #tpu.memory_space<vmem>>
            tpu.wait_dma2 semaphore(%run_scoped3A : memref<!tpu.dma_semaphore, #tpu.memory_space<semaphore_mem>>) src(%dma_wait3A_262 : memref<128xf32, #tpu.memory_space<vmem>>) dst(%dma_wait3A_261 : memref<128xf32, #tpu.memory_space<hbm>>)
            tpu.yield
          }) : () -> ()
        }
        %while3A_239 = arith.constant 1 : i32
        scf.for %while3A_248 = %while3A_237 to %while3A_233 step %while3A_239  : i32 {
          %mul3A_249 = arith.constant 128 : i32
          %mul3A_250 = arith.muli %while3A_248, %mul3A_249 : i32
          %add3A_251 = arith.addi %multiple_of3A_226, %mul3A_250 : i32
          %multiple_of3A_252 = tpu.assume_multiple %add3A_251, 128 : i32
          %mul3A_253 = arith.constant 128 : i32
          %mul3A_254 = arith.muli %while3A_248, %mul3A_253 : i32
          %add3A_255 = arith.addi %multiple_of3A_229, %mul3A_254 : i32
          %multiple_of3A_256 = tpu.assume_multiple %add3A_255, 128 : i32
          "tpu.region"() ({
            %run_scoped3A = tpu.sem_alloc : memref<!tpu.dma_semaphore, #tpu.memory_space<semaphore_mem>>
            %dma_start3A = tpu.memref_slice %arg13[%multiple_of3A_256] : memref<16384xi32, #tpu.memory_space<vmem>> -> memref<128xi32, #tpu.memory_space<vmem>>
            %dma_start3A_257 = tpu.memref_slice %arg6[%multiple_of3A_252] : memref<70254592xi32, #tpu.memory_space<hbm>> -> memref<128xi32, #tpu.memory_space<hbm>>
            %dma_start3A_258 = tpu.memref_slice %arg6[%multiple_of3A_252] : memref<70254592xi32, #tpu.memory_space<hbm>> -> memref<128xi32, #tpu.memory_space<hbm>>
            %dma_start3A_259 = tpu.memref_slice %arg13[%multiple_of3A_256] : memref<16384xi32, #tpu.memory_space<vmem>> -> memref<128xi32, #tpu.memory_space<vmem>>
            tpu.enqueue_dma source(%dma_start3A_259 : memref<128xi32, #tpu.memory_space<vmem>>) target(%dma_start3A_258 : memref<128xi32, #tpu.memory_space<hbm>>) target_semaphore(%run_scoped3A : memref<!tpu.dma_semaphore, #tpu.memory_space<semaphore_mem>>)
            %dma_wait3A = tpu.memref_slice %arg13[%multiple_of3A_256] : memref<16384xi32, #tpu.memory_space<vmem>> -> memref<128xi32, #tpu.memory_space<vmem>>
            %dma_wait3A_260 = tpu.memref_slice %arg6[%multiple_of3A_252] : memref<70254592xi32, #tpu.memory_space<hbm>> -> memref<128xi32, #tpu.memory_space<hbm>>
            %dma_wait3A_261 = tpu.memref_slice %arg6[%multiple_of3A_252] : memref<70254592xi32, #tpu.memory_space<hbm>> -> memref<128xi32, #tpu.memory_space<hbm>>
            %dma_wait3A_262 = tpu.memref_slice %arg13[%multiple_of3A_256] : memref<16384xi32, #tpu.memory_space<vmem>> -> memref<128xi32, #tpu.memory_space<vmem>>
            tpu.wait_dma2 semaphore(%run_scoped3A : memref<!tpu.dma_semaphore, #tpu.memory_space<semaphore_mem>>) src(%dma_wait3A_262 : memref<128xi32, #tpu.memory_space<vmem>>) dst(%dma_wait3A_261 : memref<128xi32, #tpu.memory_space<hbm>>)
            tpu.yield
          }) : () -> ()
          "tpu.region"() ({
            %run_scoped3A = tpu.sem_alloc : memref<!tpu.dma_semaphore, #tpu.memory_space<semaphore_mem>>
            %dma_start3A = tpu.memref_slice %arg14[%multiple_of3A_256] : memref<16384xf32, #tpu.memory_space<vmem>> -> memref<128xf32, #tpu.memory_space<vmem>>
            %dma_start3A_257 = tpu.memref_slice %arg7[%multiple_of3A_252] : memref<70254592xf32, #tpu.memory_space<hbm>> -> memref<128xf32, #tpu.memory_space<hbm>>
            %dma_start3A_258 = tpu.memref_slice %arg7[%multiple_of3A_252] : memref<70254592xf32, #tpu.memory_space<hbm>> -> memref<128xf32, #tpu.memory_space<hbm>>
            %dma_start3A_259 = tpu.memref_slice %arg14[%multiple_of3A_256] : memref<16384xf32, #tpu.memory_space<vmem>> -> memref<128xf32, #tpu.memory_space<vmem>>
            tpu.enqueue_dma source(%dma_start3A_259 : memref<128xf32, #tpu.memory_space<vmem>>) target(%dma_start3A_258 : memref<128xf32, #tpu.memory_space<hbm>>) target_semaphore(%run_scoped3A : memref<!tpu.dma_semaphore, #tpu.memory_space<semaphore_mem>>)
            %dma_wait3A = tpu.memref_slice %arg14[%multiple_of3A_256] : memref<16384xf32, #tpu.memory_space<vmem>> -> memref<128xf32, #tpu.memory_space<vmem>>
            %dma_wait3A_260 = tpu.memref_slice %arg7[%multiple_of3A_252] : memref<70254592xf32, #tpu.memory_space<hbm>> -> memref<128xf32, #tpu.memory_space<hbm>>
            %dma_wait3A_261 = tpu.memref_slice %arg7[%multiple_of3A_252] : memref<70254592xf32, #tpu.memory_space<hbm>> -> memref<128xf32, #tpu.memory_space<hbm>>
            %dma_wait3A_262 = tpu.memref_slice %arg14[%multiple_of3A_256] : memref<16384xf32, #tpu.memory_space<vmem>> -> memref<128xf32, #tpu.memory_space<vmem>>
            tpu.wait_dma2 semaphore(%run_scoped3A : memref<!tpu.dma_semaphore, #tpu.memory_space<semaphore_mem>>) src(%dma_wait3A_262 : memref<128xf32, #tpu.memory_space<vmem>>) dst(%dma_wait3A_261 : memref<128xf32, #tpu.memory_space<hbm>>)
            tpu.yield
          }) : () -> ()
        }
        %iota3A_240 = tpu.iota {dimensions = array<i32: 0>} : vector<16xi32>
        %eq3A_241 = vector.broadcast %scan3A_78 : i32 to vector<16xi32>
        %eq3A_242 = arith.cmpi eq, %iota3A_240, %eq3A_241 : vector<16xi32>
        %jit3A_243 = arith.constant 0 : i32
        %broadcast_in_dim3A_244 = vector.broadcast %jit3A_243 : i32 to vector<16xi32>
        %select_n3A_245 = arith.select %eq3A_242, %broadcast_in_dim3A_244, %get3A_79 : vector<16xi1>, vector<16xi32>
        %swap3A_246 = arith.constant 0 : index
        %swap3A_247 = tpu.vector_load %arg18[%swap3A_246] {strides = array<i32>} : memref<16xi32, #tpu.memory_space<vmem>>, vector<16xi32>,
        tpu.vector_store %arg18[%swap3A_246], %select_n3A_245 {strides = array<i32>} : memref<16xi32, #tpu.memory_space<vmem>>, vector<16xi32>,
      }
      %scan3A_38 = arith.constant 16 : i32
      %barrier3A_39 = arith.constant 0 : index
      tpu.barrier barrier_id(%barrier3A_39)
      %sc_fetch_and_add3A = arith.constant 0 : i32
      %sc_fetch_and_add3A_40 = arith.constant 0 : i32
      %sc_fetch_and_add3A_41 = tpu.fetch_and_add_sync %arg19[%arg1], %sc_fetch_and_add3A, %sc_fetch_and_add3A_40 : memref<16xi32, #tpu.memory_space<smem>>, i32 -> i32
      %shift_right_logical3A = arith.constant 7 : i32
      %shift_right_logical3A_42 = arith.shrui %sc_fetch_and_add3A_41, %shift_right_logical3A : i32
      %mul3A_43 = arith.constant 16 : i32
      %mul3A_44 = arith.muli %arg0, %mul3A_43 : i32
      %add3A_45 = arith.addi %mul3A_44, %arg1 : i32
      %mul3A_46 = arith.constant 2195456 : i32
      %mul3A_47 = arith.muli %add3A_45, %mul3A_46 : i32
      %multiple_of3A = tpu.assume_multiple %mul3A_47, 128 : i32
      %while3A = arith.constant 0 : i32
      %while3A_48 = arith.constant 0 : i32
      %while3A_49 = arith.subi %shift_right_logical3A_42, %while3A_48 : i32
      %while3A_50 = arith.addi %while3A_48, %while3A_49 : i32
      %while3A_51 = arith.constant 1 : i32
      %while3A_52 = arith.divsi %while3A_49, %while3A_51 : i32
      %while3A_53 = arith.muli %while3A_52, %while3A_51 : i32
      %while3A_54 = arith.addi %while3A_48, %while3A_53 : i32
      %while3A_55 = arith.constant 1 : i32
      scf.for %while3A_78 = %while3A_48 to %while3A_54 step %while3A_55  : i32 {
        %and3A = arith.constant 15 : i32
        %and3A_79 = arith.andi %while3A_78, %and3A : i32
        %mul3A_80 = arith.constant 128 : i32
        %mul3A_81 = arith.muli %while3A_78, %mul3A_80 : i32
        %add3A_82 = arith.addi %multiple_of3A, %mul3A_81 : i32
        %multiple_of3A_83 = tpu.assume_multiple %add3A_82, 128 : i32
        "tpu.region"() ({
          %run_scoped3A = tpu.sem_alloc : memref<!tpu.dma_semaphore, #tpu.memory_space<semaphore_mem>>
          %dma_start3A = arith.constant 0 : i32
          %dma_start3A_84 = tpu.memref_slice %arg15[%and3A_79, %dma_start3A] : memref<16x128xi32, #tpu.memory_space<vmem>> -> memref<1x128xi32, #tpu.memory_space<vmem>>
          %dma_start3A_85 = tpu.memref_squeeze %dma_start3A_84 : memref<1x128xi32, #tpu.memory_space<vmem>> -> memref<128xi32, #tpu.memory_space<vmem>>
          %dma_start3A_86 = tpu.memref_slice %arg6[%multiple_of3A_83] : memref<70254592xi32, #tpu.memory_space<hbm>> -> memref<128xi32, #tpu.memory_space<hbm>>
          %dma_start3A_87 = arith.constant 0 : i32
          %dma_start3A_88 = tpu.memref_slice %arg15[%and3A_79, %dma_start3A_87] : memref<16x128xi32, #tpu.memory_space<vmem>> -> memref<1x128xi32, #tpu.memory_space<vmem>>
          %dma_start3A_89 = tpu.memref_squeeze %dma_start3A_88 : memref<1x128xi32, #tpu.memory_space<vmem>> -> memref<128xi32, #tpu.memory_space<vmem>>
          %dma_start3A_90 = tpu.memref_slice %arg6[%multiple_of3A_83] : memref<70254592xi32, #tpu.memory_space<hbm>> -> memref<128xi32, #tpu.memory_space<hbm>>
          tpu.enqueue_dma source(%dma_start3A_90 : memref<128xi32, #tpu.memory_space<hbm>>) target(%dma_start3A_89 : memref<128xi32, #tpu.memory_space<vmem>>) target_semaphore(%run_scoped3A : memref<!tpu.dma_semaphore, #tpu.memory_space<semaphore_mem>>)
          %dma_wait3A = arith.constant 0 : i32
          %dma_wait3A_91 = tpu.memref_slice %arg15[%and3A_79, %dma_wait3A] : memref<16x128xi32, #tpu.memory_space<vmem>> -> memref<1x128xi32, #tpu.memory_space<vmem>>
          %dma_wait3A_92 = tpu.memref_squeeze %dma_wait3A_91 : memref<1x128xi32, #tpu.memory_space<vmem>> -> memref<128xi32, #tpu.memory_space<vmem>>
          %dma_wait3A_93 = tpu.memref_slice %arg6[%multiple_of3A_83] : memref<70254592xi32, #tpu.memory_space<hbm>> -> memref<128xi32, #tpu.memory_space<hbm>>
          %dma_wait3A_94 = arith.constant 0 : i32
          %dma_wait3A_95 = tpu.memref_slice %arg15[%and3A_79, %dma_wait3A_94] : memref<16x128xi32, #tpu.memory_space<vmem>> -> memref<1x128xi32, #tpu.memory_space<vmem>>
          %dma_wait3A_96 = tpu.memref_squeeze %dma_wait3A_95 : memref<1x128xi32, #tpu.memory_space<vmem>> -> memref<128xi32, #tpu.memory_space<vmem>>
          %dma_wait3A_97 = tpu.memref_slice %arg6[%multiple_of3A_83] : memref<70254592xi32, #tpu.memory_space<hbm>> -> memref<128xi32, #tpu.memory_space<hbm>>
          tpu.wait_dma2 semaphore(%run_scoped3A : memref<!tpu.dma_semaphore, #tpu.memory_space<semaphore_mem>>) src(%dma_wait3A_97 : memref<128xi32, #tpu.memory_space<hbm>>) dst(%dma_wait3A_96 : memref<128xi32, #tpu.memory_space<vmem>>)
          tpu.yield
        }) : () -> ()
        "tpu.region"() ({
          %run_scoped3A = tpu.sem_alloc : memref<!tpu.dma_semaphore, #tpu.memory_space<semaphore_mem>>
          %dma_start3A = arith.constant 0 : i32
          %dma_start3A_84 = tpu.memref_slice %arg16[%and3A_79, %dma_start3A] : memref<16x128xf32, #tpu.memory_space<vmem>> -> memref<1x128xf32, #tpu.memory_space<vmem>>
          %dma_start3A_85 = tpu.memref_squeeze %dma_start3A_84 : memref<1x128xf32, #tpu.memory_space<vmem>> -> memref<128xf32, #tpu.memory_space<vmem>>
          %dma_start3A_86 = tpu.memref_slice %arg7[%multiple_of3A_83] : memref<70254592xf32, #tpu.memory_space<hbm>> -> memref<128xf32, #tpu.memory_space<hbm>>
          %dma_start3A_87 = arith.constant 0 : i32
          %dma_start3A_88 = tpu.memref_slice %arg16[%and3A_79, %dma_start3A_87] : memref<16x128xf32, #tpu.memory_space<vmem>> -> memref<1x128xf32, #tpu.memory_space<vmem>>
          %dma_start3A_89 = tpu.memref_squeeze %dma_start3A_88 : memref<1x128xf32, #tpu.memory_space<vmem>> -> memref<128xf32, #tpu.memory_space<vmem>>
          %dma_start3A_90 = tpu.memref_slice %arg7[%multiple_of3A_83] : memref<70254592xf32, #tpu.memory_space<hbm>> -> memref<128xf32, #tpu.memory_space<hbm>>
          tpu.enqueue_dma source(%dma_start3A_90 : memref<128xf32, #tpu.memory_space<hbm>>) target(%dma_start3A_89 : memref<128xf32, #tpu.memory_space<vmem>>) target_semaphore(%run_scoped3A : memref<!tpu.dma_semaphore, #tpu.memory_space<semaphore_mem>>)
          %dma_wait3A = arith.constant 0 : i32
          %dma_wait3A_91 = tpu.memref_slice %arg16[%and3A_79, %dma_wait3A] : memref<16x128xf32, #tpu.memory_space<vmem>> -> memref<1x128xf32, #tpu.memory_space<vmem>>
          %dma_wait3A_92 = tpu.memref_squeeze %dma_wait3A_91 : memref<1x128xf32, #tpu.memory_space<vmem>> -> memref<128xf32, #tpu.memory_space<vmem>>
          %dma_wait3A_93 = tpu.memref_slice %arg7[%multiple_of3A_83] : memref<70254592xf32, #tpu.memory_space<hbm>> -> memref<128xf32, #tpu.memory_space<hbm>>
          %dma_wait3A_94 = arith.constant 0 : i32
          %dma_wait3A_95 = tpu.memref_slice %arg16[%and3A_79, %dma_wait3A_94] : memref<16x128xf32, #tpu.memory_space<vmem>> -> memref<1x128xf32, #tpu.memory_space<vmem>>
          %dma_wait3A_96 = tpu.memref_squeeze %dma_wait3A_95 : memref<1x128xf32, #tpu.memory_space<vmem>> -> memref<128xf32, #tpu.memory_space<vmem>>
          %dma_wait3A_97 = tpu.memref_slice %arg7[%multiple_of3A_83] : memref<70254592xf32, #tpu.memory_space<hbm>> -> memref<128xf32, #tpu.memory_space<hbm>>
          tpu.wait_dma2 semaphore(%run_scoped3A : memref<!tpu.dma_semaphore, #tpu.memory_space<semaphore_mem>>) src(%dma_wait3A_97 : memref<128xf32, #tpu.memory_space<hbm>>) dst(%dma_wait3A_96 : memref<128xf32, #tpu.memory_space<vmem>>)
          tpu.yield
        }) : () -> ()
        "tpu.region"() ({
          %run_scoped3A = tpu.sem_alloc : memref<!tpu.dma_semaphore, #tpu.memory_space<semaphore_mem>>
          %dma_start3A = arith.constant 0 : i32
          %dma_start3A_84 = tpu.memref_slice %arg16[%and3A_79, %dma_start3A] : memref<16x128xf32, #tpu.memory_space<vmem>> -> memref<1x128xf32, #tpu.memory_space<vmem>>
          %dma_start3A_85 = tpu.memref_squeeze %dma_start3A_84 : memref<1x128xf32, #tpu.memory_space<vmem>> -> memref<128xf32, #tpu.memory_space<vmem>>
          %dma_start3A_86 = arith.constant 0 : i32
          %dma_start3A_87 = tpu.memref_slice %arg15[%and3A_79, %dma_start3A_86] : memref<16x128xi32, #tpu.memory_space<vmem>> -> memref<1x128xi32, #tpu.memory_space<vmem>>
          %dma_start3A_88 = tpu.memref_squeeze %dma_start3A_87 : memref<1x128xi32, #tpu.memory_space<vmem>> -> memref<128xi32, #tpu.memory_space<vmem>>
          %dma_start3A_89 = arith.constant 0 : i32
          %dma_start3A_90 = tpu.memref_slice %arg8[%dma_start3A_89] : memref<1048576xf32, #tpu.memory_space<vmem_shared>> -> memref<1048576xf32, #tpu.memory_space<vmem_shared>>
          tpu.enqueue_indirect_dma source(%dma_start3A_85 : memref<128xf32, #tpu.memory_space<vmem>>) target(%dma_start3A_90 : memref<1048576xf32, #tpu.memory_space<vmem_shared>>) offsets(%dma_start3A_88 : memref<128xi32, #tpu.memory_space<vmem>>) semaphore(%run_scoped3A : memref<!tpu.dma_semaphore, #tpu.memory_space<semaphore_mem>>) {add = true}
          %dma_wait3A = arith.constant 0 : i32
          %dma_wait3A_91 = tpu.memref_slice %arg16[%and3A_79, %dma_wait3A] : memref<16x128xf32, #tpu.memory_space<vmem>> -> memref<1x128xf32, #tpu.memory_space<vmem>>
          %dma_wait3A_92 = tpu.memref_squeeze %dma_wait3A_91 : memref<1x128xf32, #tpu.memory_space<vmem>> -> memref<128xf32, #tpu.memory_space<vmem>>
          %dma_wait3A_93 = arith.constant 0 : i32
          %dma_wait3A_94 = tpu.memref_slice %arg15[%and3A_79, %dma_wait3A_93] : memref<16x128xi32, #tpu.memory_space<vmem>> -> memref<1x128xi32, #tpu.memory_space<vmem>>
          %dma_wait3A_95 = tpu.memref_squeeze %dma_wait3A_94 : memref<1x128xi32, #tpu.memory_space<vmem>> -> memref<128xi32, #tpu.memory_space<vmem>>
          %dma_wait3A_96 = arith.constant 0 : i32
          %dma_wait3A_97 = tpu.memref_slice %arg8[%dma_wait3A_96] : memref<1048576xf32, #tpu.memory_space<vmem_shared>> -> memref<1048576xf32, #tpu.memory_space<vmem_shared>>
          tpu.wait_indirect_dma semaphore(%run_scoped3A : memref<!tpu.dma_semaphore, #tpu.memory_space<semaphore_mem>>) src(%dma_wait3A_92 : memref<128xf32, #tpu.memory_space<vmem>>) dst(%dma_wait3A_97 : memref<1048576xf32, #tpu.memory_space<vmem_shared>>)
          tpu.yield
        }) : () -> ()
      }
      %while3A_56 = arith.constant 1 : i32
      scf.for %while3A_78 = %while3A_54 to %while3A_50 step %while3A_56  : i32 {
        %and3A = arith.constant 15 : i32
        %and3A_79 = arith.andi %while3A_78, %and3A : i32
        %mul3A_80 = arith.constant 128 : i32
        %mul3A_81 = arith.muli %while3A_78, %mul3A_80 : i32
        %add3A_82 = arith.addi %multiple_of3A, %mul3A_81 : i32
        %multiple_of3A_83 = tpu.assume_multiple %add3A_82, 128 : i32
        "tpu.region"() ({
          %run_scoped3A = tpu.sem_alloc : memref<!tpu.dma_semaphore, #tpu.memory_space<semaphore_mem>>
          %dma_start3A = arith.constant 0 : i32
          %dma_start3A_84 = tpu.memref_slice %arg15[%and3A_79, %dma_start3A] : memref<16x128xi32, #tpu.memory_space<vmem>> -> memref<1x128xi32, #tpu.memory_space<vmem>>
          %dma_start3A_85 = tpu.memref_squeeze %dma_start3A_84 : memref<1x128xi32, #tpu.memory_space<vmem>> -> memref<128xi32, #tpu.memory_space<vmem>>
          %dma_start3A_86 = tpu.memref_slice %arg6[%multiple_of3A_83] : memref<70254592xi32, #tpu.memory_space<hbm>> -> memref<128xi32, #tpu.memory_space<hbm>>
          %dma_start3A_87 = arith.constant 0 : i32
          %dma_start3A_88 = tpu.memref_slice %arg15[%and3A_79, %dma_start3A_87] : memref<16x128xi32, #tpu.memory_space<vmem>> -> memref<1x128xi32, #tpu.memory_space<vmem>>
          %dma_start3A_89 = tpu.memref_squeeze %dma_start3A_88 : memref<1x128xi32, #tpu.memory_space<vmem>> -> memref<128xi32, #tpu.memory_space<vmem>>
          %dma_start3A_90 = tpu.memref_slice %arg6[%multiple_of3A_83] : memref<70254592xi32, #tpu.memory_space<hbm>> -> memref<128xi32, #tpu.memory_space<hbm>>
          tpu.enqueue_dma source(%dma_start3A_90 : memref<128xi32, #tpu.memory_space<hbm>>) target(%dma_start3A_89 : memref<128xi32, #tpu.memory_space<vmem>>) target_semaphore(%run_scoped3A : memref<!tpu.dma_semaphore, #tpu.memory_space<semaphore_mem>>)
          %dma_wait3A = arith.constant 0 : i32
          %dma_wait3A_91 = tpu.memref_slice %arg15[%and3A_79, %dma_wait3A] : memref<16x128xi32, #tpu.memory_space<vmem>> -> memref<1x128xi32, #tpu.memory_space<vmem>>
          %dma_wait3A_92 = tpu.memref_squeeze %dma_wait3A_91 : memref<1x128xi32, #tpu.memory_space<vmem>> -> memref<128xi32, #tpu.memory_space<vmem>>
          %dma_wait3A_93 = tpu.memref_slice %arg6[%multiple_of3A_83] : memref<70254592xi32, #tpu.memory_space<hbm>> -> memref<128xi32, #tpu.memory_space<hbm>>
          %dma_wait3A_94 = arith.constant 0 : i32
          %dma_wait3A_95 = tpu.memref_slice %arg15[%and3A_79, %dma_wait3A_94] : memref<16x128xi32, #tpu.memory_space<vmem>> -> memref<1x128xi32, #tpu.memory_space<vmem>>
          %dma_wait3A_96 = tpu.memref_squeeze %dma_wait3A_95 : memref<1x128xi32, #tpu.memory_space<vmem>> -> memref<128xi32, #tpu.memory_space<vmem>>
          %dma_wait3A_97 = tpu.memref_slice %arg6[%multiple_of3A_83] : memref<70254592xi32, #tpu.memory_space<hbm>> -> memref<128xi32, #tpu.memory_space<hbm>>
          tpu.wait_dma2 semaphore(%run_scoped3A : memref<!tpu.dma_semaphore, #tpu.memory_space<semaphore_mem>>) src(%dma_wait3A_97 : memref<128xi32, #tpu.memory_space<hbm>>) dst(%dma_wait3A_96 : memref<128xi32, #tpu.memory_space<vmem>>)
          tpu.yield
        }) : () -> ()
        "tpu.region"() ({
          %run_scoped3A = tpu.sem_alloc : memref<!tpu.dma_semaphore, #tpu.memory_space<semaphore_mem>>
          %dma_start3A = arith.constant 0 : i32
          %dma_start3A_84 = tpu.memref_slice %arg16[%and3A_79, %dma_start3A] : memref<16x128xf32, #tpu.memory_space<vmem>> -> memref<1x128xf32, #tpu.memory_space<vmem>>
          %dma_start3A_85 = tpu.memref_squeeze %dma_start3A_84 : memref<1x128xf32, #tpu.memory_space<vmem>> -> memref<128xf32, #tpu.memory_space<vmem>>
          %dma_start3A_86 = tpu.memref_slice %arg7[%multiple_of3A_83] : memref<70254592xf32, #tpu.memory_space<hbm>> -> memref<128xf32, #tpu.memory_space<hbm>>
          %dma_start3A_87 = arith.constant 0 : i32
          %dma_start3A_88 = tpu.memref_slice %arg16[%and3A_79, %dma_start3A_87] : memref<16x128xf32, #tpu.memory_space<vmem>> -> memref<1x128xf32, #tpu.memory_space<vmem>>
          %dma_start3A_89 = tpu.memref_squeeze %dma_start3A_88 : memref<1x128xf32, #tpu.memory_space<vmem>> -> memref<128xf32, #tpu.memory_space<vmem>>
          %dma_start3A_90 = tpu.memref_slice %arg7[%multiple_of3A_83] : memref<70254592xf32, #tpu.memory_space<hbm>> -> memref<128xf32, #tpu.memory_space<hbm>>
          tpu.enqueue_dma source(%dma_start3A_90 : memref<128xf32, #tpu.memory_space<hbm>>) target(%dma_start3A_89 : memref<128xf32, #tpu.memory_space<vmem>>) target_semaphore(%run_scoped3A : memref<!tpu.dma_semaphore, #tpu.memory_space<semaphore_mem>>)
          %dma_wait3A = arith.constant 0 : i32
          %dma_wait3A_91 = tpu.memref_slice %arg16[%and3A_79, %dma_wait3A] : memref<16x128xf32, #tpu.memory_space<vmem>> -> memref<1x128xf32, #tpu.memory_space<vmem>>
          %dma_wait3A_92 = tpu.memref_squeeze %dma_wait3A_91 : memref<1x128xf32, #tpu.memory_space<vmem>> -> memref<128xf32, #tpu.memory_space<vmem>>
          %dma_wait3A_93 = tpu.memref_slice %arg7[%multiple_of3A_83] : memref<70254592xf32, #tpu.memory_space<hbm>> -> memref<128xf32, #tpu.memory_space<hbm>>
          %dma_wait3A_94 = arith.constant 0 : i32
          %dma_wait3A_95 = tpu.memref_slice %arg16[%and3A_79, %dma_wait3A_94] : memref<16x128xf32, #tpu.memory_space<vmem>> -> memref<1x128xf32, #tpu.memory_space<vmem>>
          %dma_wait3A_96 = tpu.memref_squeeze %dma_wait3A_95 : memref<1x128xf32, #tpu.memory_space<vmem>> -> memref<128xf32, #tpu.memory_space<vmem>>
          %dma_wait3A_97 = tpu.memref_slice %arg7[%multiple_of3A_83] : memref<70254592xf32, #tpu.memory_space<hbm>> -> memref<128xf32, #tpu.memory_space<hbm>>
          tpu.wait_dma2 semaphore(%run_scoped3A : memref<!tpu.dma_semaphore, #tpu.memory_space<semaphore_mem>>) src(%dma_wait3A_97 : memref<128xf32, #tpu.memory_space<hbm>>) dst(%dma_wait3A_96 : memref<128xf32, #tpu.memory_space<vmem>>)
          tpu.yield
        }) : () -> ()
        "tpu.region"() ({
          %run_scoped3A = tpu.sem_alloc : memref<!tpu.dma_semaphore, #tpu.memory_space<semaphore_mem>>
          %dma_start3A = arith.constant 0 : i32
          %dma_start3A_84 = tpu.memref_slice %arg16[%and3A_79, %dma_start3A] : memref<16x128xf32, #tpu.memory_space<vmem>> -> memref<1x128xf32, #tpu.memory_space<vmem>>
          %dma_start3A_85 = tpu.memref_squeeze %dma_start3A_84 : memref<1x128xf32, #tpu.memory_space<vmem>> -> memref<128xf32, #tpu.memory_space<vmem>>
          %dma_start3A_86 = arith.constant 0 : i32
          %dma_start3A_87 = tpu.memref_slice %arg15[%and3A_79, %dma_start3A_86] : memref<16x128xi32, #tpu.memory_space<vmem>> -> memref<1x128xi32, #tpu.memory_space<vmem>>
          %dma_start3A_88 = tpu.memref_squeeze %dma_start3A_87 : memref<1x128xi32, #tpu.memory_space<vmem>> -> memref<128xi32, #tpu.memory_space<vmem>>
          %dma_start3A_89 = arith.constant 0 : i32
          %dma_start3A_90 = tpu.memref_slice %arg8[%dma_start3A_89] : memref<1048576xf32, #tpu.memory_space<vmem_shared>> -> memref<1048576xf32, #tpu.memory_space<vmem_shared>>
          tpu.enqueue_indirect_dma source(%dma_start3A_85 : memref<128xf32, #tpu.memory_space<vmem>>) target(%dma_start3A_90 : memref<1048576xf32, #tpu.memory_space<vmem_shared>>) offsets(%dma_start3A_88 : memref<128xi32, #tpu.memory_space<vmem>>) semaphore(%run_scoped3A : memref<!tpu.dma_semaphore, #tpu.memory_space<semaphore_mem>>) {add = true}
          %dma_wait3A = arith.constant 0 : i32
          %dma_wait3A_91 = tpu.memref_slice %arg16[%and3A_79, %dma_wait3A] : memref<16x128xf32, #tpu.memory_space<vmem>> -> memref<1x128xf32, #tpu.memory_space<vmem>>
          %dma_wait3A_92 = tpu.memref_squeeze %dma_wait3A_91 : memref<1x128xf32, #tpu.memory_space<vmem>> -> memref<128xf32, #tpu.memory_space<vmem>>
          %dma_wait3A_93 = arith.constant 0 : i32
          %dma_wait3A_94 = tpu.memref_slice %arg15[%and3A_79, %dma_wait3A_93] : memref<16x128xi32, #tpu.memory_space<vmem>> -> memref<1x128xi32, #tpu.memory_space<vmem>>
          %dma_wait3A_95 = tpu.memref_squeeze %dma_wait3A_94 : memref<1x128xi32, #tpu.memory_space<vmem>> -> memref<128xi32, #tpu.memory_space<vmem>>
          %dma_wait3A_96 = arith.constant 0 : i32
          %dma_wait3A_97 = tpu.memref_slice %arg8[%dma_wait3A_96] : memref<1048576xf32, #tpu.memory_space<vmem_shared>> -> memref<1048576xf32, #tpu.memory_space<vmem_shared>>
          tpu.wait_indirect_dma semaphore(%run_scoped3A : memref<!tpu.dma_semaphore, #tpu.memory_space<semaphore_mem>>) src(%dma_wait3A_92 : memref<128xf32, #tpu.memory_space<vmem>>) dst(%dma_wait3A_97 : memref<1048576xf32, #tpu.memory_space<vmem_shared>>)
          tpu.yield
        }) : () -> ()
      }
      %barrier3A_57 = arith.constant 0 : index
      tpu.barrier barrier_id(%barrier3A_57)
      %mul3A_58 = arith.constant 4096 : i32
      %mul3A_59 = arith.muli %add3A, %mul3A_58 : i32
      %mul3A_60 = arith.constant 65536 : i32
      %mul3A_61 = arith.muli %arg1, %mul3A_60 : i32
      %add3A_62 = arith.addi %mul3A_59, %mul3A_61 : i32
      %sub3A = arith.constant 16777216 : i32
      %sub3A_63 = arith.subi %sub3A, %add3A_62 : i32
      %min3A = arith.constant 65536 : i32
      %min3A_64 = arith.minsi %min3A, %sub3A_63 : i32
      %max3A = arith.constant 0 : i32
      %max3A_65 = arith.maxsi %max3A, %min3A_64 : i32
      %shift_right_logical3A_66 = arith.constant 13 : i32
      %shift_right_logical3A_67 = arith.shrui %max3A_65, %shift_right_logical3A_66 : i32
      %while3A_68 = arith.constant 0 : i32
      %while3A_69 = arith.constant 0 : i32
      %while3A_70 = arith.subi %shift_right_logical3A_67, %while3A_69 : i32
      %while3A_71 = arith.addi %while3A_69, %while3A_70 : i32
      %while3A_72 = arith.constant 1 : i32
      %while3A_73 = arith.divsi %while3A_70, %while3A_72 : i32
      %while3A_74 = arith.muli %while3A_73, %while3A_72 : i32
      %while3A_75 = arith.addi %while3A_69, %while3A_74 : i32
      %while3A_76 = arith.constant 1 : i32
      scf.for %while3A_78 = %while3A_69 to %while3A_75 step %while3A_76  : i32 {
        %mul3A_79 = arith.constant 65536 : i32
        %mul3A_80 = arith.muli %arg1, %mul3A_79 : i32
        %mul3A_81 = arith.constant 8192 : i32
        %mul3A_82 = arith.muli %while3A_78, %mul3A_81 : i32
        %add3A_83 = arith.addi %mul3A_80, %mul3A_82 : i32
        "tpu.region"() ({
          %run_scoped3A = tpu.sem_alloc : memref<!tpu.dma_semaphore, #tpu.memory_space<semaphore_mem>>
          %dma_start3A = tpu.memref_slice %arg8[%add3A_83] : memref<1048576xf32, #tpu.memory_space<vmem_shared>> -> memref<8192xf32, #tpu.memory_space<vmem_shared>>
          %dma_start3A_87 = tpu.memref_slice %arg8[%add3A_83] : memref<1048576xf32, #tpu.memory_space<vmem_shared>> -> memref<8192xf32, #tpu.memory_space<vmem_shared>>
          tpu.enqueue_dma source(%dma_start3A_87 : memref<8192xf32, #tpu.memory_space<vmem_shared>>) target(%arg17 : memref<8192xf32, #tpu.memory_space<vmem>>) target_semaphore(%run_scoped3A : memref<!tpu.dma_semaphore, #tpu.memory_space<semaphore_mem>>)
          %dma_wait3A = tpu.memref_slice %arg8[%add3A_83] : memref<1048576xf32, #tpu.memory_space<vmem_shared>> -> memref<8192xf32, #tpu.memory_space<vmem_shared>>
          %dma_wait3A_88 = tpu.memref_slice %arg8[%add3A_83] : memref<1048576xf32, #tpu.memory_space<vmem_shared>> -> memref<8192xf32, #tpu.memory_space<vmem_shared>>
          tpu.wait_dma2 semaphore(%run_scoped3A : memref<!tpu.dma_semaphore, #tpu.memory_space<semaphore_mem>>) src(%dma_wait3A_88 : memref<8192xf32, #tpu.memory_space<vmem_shared>>) dst(%arg17 : memref<8192xf32, #tpu.memory_space<vmem>>)
          tpu.yield
        }) : () -> ()
        %mul3A_84 = arith.constant 8192 : i32
        %mul3A_85 = arith.muli %while3A_78, %mul3A_84 : i32
        %add3A_86 = arith.addi %add3A_62, %mul3A_85 : i32
        "tpu.region"() ({
          %run_scoped3A = tpu.sem_alloc : memref<!tpu.dma_semaphore, #tpu.memory_space<semaphore_mem>>
          %dma_start3A = tpu.memref_slice %arg5[%add3A_86] : memref<16777216xf32, #tpu.memory_space<hbm>> -> memref<8192xf32, #tpu.memory_space<hbm>>
          %dma_start3A_87 = tpu.memref_slice %arg5[%add3A_86] : memref<16777216xf32, #tpu.memory_space<hbm>> -> memref<8192xf32, #tpu.memory_space<hbm>>
          tpu.enqueue_dma source(%arg17 : memref<8192xf32, #tpu.memory_space<vmem>>) target(%dma_start3A_87 : memref<8192xf32, #tpu.memory_space<hbm>>) target_semaphore(%run_scoped3A : memref<!tpu.dma_semaphore, #tpu.memory_space<semaphore_mem>>)
          %dma_wait3A = tpu.memref_slice %arg5[%add3A_86] : memref<16777216xf32, #tpu.memory_space<hbm>> -> memref<8192xf32, #tpu.memory_space<hbm>>
          %dma_wait3A_88 = tpu.memref_slice %arg5[%add3A_86] : memref<16777216xf32, #tpu.memory_space<hbm>> -> memref<8192xf32, #tpu.memory_space<hbm>>
          tpu.wait_dma2 semaphore(%run_scoped3A : memref<!tpu.dma_semaphore, #tpu.memory_space<semaphore_mem>>) src(%arg17 : memref<8192xf32, #tpu.memory_space<vmem>>) dst(%dma_wait3A_88 : memref<8192xf32, #tpu.memory_space<hbm>>)
          tpu.yield
        }) : () -> ()
      }
      %while3A_77 = arith.constant 1 : i32
      scf.for %while3A_78 = %while3A_75 to %while3A_71 step %while3A_77  : i32 {
        %mul3A_79 = arith.constant 65536 : i32
        %mul3A_80 = arith.muli %arg1, %mul3A_79 : i32
        %mul3A_81 = arith.constant 8192 : i32
        %mul3A_82 = arith.muli %while3A_78, %mul3A_81 : i32
        %add3A_83 = arith.addi %mul3A_80, %mul3A_82 : i32
        "tpu.region"() ({
          %run_scoped3A = tpu.sem_alloc : memref<!tpu.dma_semaphore, #tpu.memory_space<semaphore_mem>>
          %dma_start3A = tpu.memref_slice %arg8[%add3A_83] : memref<1048576xf32, #tpu.memory_space<vmem_shared>> -> memref<8192xf32, #tpu.memory_space<vmem_shared>>
          %dma_start3A_87 = tpu.memref_slice %arg8[%add3A_83] : memref<1048576xf32, #tpu.memory_space<vmem_shared>> -> memref<8192xf32, #tpu.memory_space<vmem_shared>>
          tpu.enqueue_dma source(%dma_start3A_87 : memref<8192xf32, #tpu.memory_space<vmem_shared>>) target(%arg17 : memref<8192xf32, #tpu.memory_space<vmem>>) target_semaphore(%run_scoped3A : memref<!tpu.dma_semaphore, #tpu.memory_space<semaphore_mem>>)
          %dma_wait3A = tpu.memref_slice %arg8[%add3A_83] : memref<1048576xf32, #tpu.memory_space<vmem_shared>> -> memref<8192xf32, #tpu.memory_space<vmem_shared>>
          %dma_wait3A_88 = tpu.memref_slice %arg8[%add3A_83] : memref<1048576xf32, #tpu.memory_space<vmem_shared>> -> memref<8192xf32, #tpu.memory_space<vmem_shared>>
          tpu.wait_dma2 semaphore(%run_scoped3A : memref<!tpu.dma_semaphore, #tpu.memory_space<semaphore_mem>>) src(%dma_wait3A_88 : memref<8192xf32, #tpu.memory_space<vmem_shared>>) dst(%arg17 : memref<8192xf32, #tpu.memory_space<vmem>>)
          tpu.yield
        }) : () -> ()
        %mul3A_84 = arith.constant 8192 : i32
        %mul3A_85 = arith.muli %while3A_78, %mul3A_84 : i32
        %add3A_86 = arith.addi %add3A_62, %mul3A_85 : i32
        "tpu.region"() ({
          %run_scoped3A = tpu.sem_alloc : memref<!tpu.dma_semaphore, #tpu.memory_space<semaphore_mem>>
          %dma_start3A = tpu.memref_slice %arg5[%add3A_86] : memref<16777216xf32, #tpu.memory_space<hbm>> -> memref<8192xf32, #tpu.memory_space<hbm>>
          %dma_start3A_87 = tpu.memref_slice %arg5[%add3A_86] : memref<16777216xf32, #tpu.memory_space<hbm>> -> memref<8192xf32, #tpu.memory_space<hbm>>
          tpu.enqueue_dma source(%arg17 : memref<8192xf32, #tpu.memory_space<vmem>>) target(%dma_start3A_87 : memref<8192xf32, #tpu.memory_space<hbm>>) target_semaphore(%run_scoped3A : memref<!tpu.dma_semaphore, #tpu.memory_space<semaphore_mem>>)
          %dma_wait3A = tpu.memref_slice %arg5[%add3A_86] : memref<16777216xf32, #tpu.memory_space<hbm>> -> memref<8192xf32, #tpu.memory_space<hbm>>
          %dma_wait3A_88 = tpu.memref_slice %arg5[%add3A_86] : memref<16777216xf32, #tpu.memory_space<hbm>> -> memref<8192xf32, #tpu.memory_space<hbm>>
          tpu.wait_dma2 semaphore(%run_scoped3A : memref<!tpu.dma_semaphore, #tpu.memory_space<semaphore_mem>>) src(%arg17 : memref<8192xf32, #tpu.memory_space<vmem>>) dst(%dma_wait3A_88 : memref<8192xf32, #tpu.memory_space<hbm>>)
          tpu.yield
        }) : () -> ()
      }
    }
    %scan3A_13 = arith.constant 8 : i32
    return
  }
}

</mosaic_0001>

<sc_bundles>
// kernel: _run.3.cloned.1.call-start
scs
__scs_entry_jumppad:
0x0: {  	(pc) =	sbr.rel $0x88, $3  }
0x1: {  	(tag) =	ssettag $0x0;
	lr =	simm.s32 $0x1  }
0x2: {  	[smem:$0x3F9E] =	sst lr;
	_ =	strace $0xD0000000  }
0x3: {  	_ = 	snop  }
0x4: {  	_ = 	snop  }
0x5: {  	_ = 	snop  }
0x6: {  	_ = 	snop  }
0x7: {  	_ = 	snop  }
__scs_overlays_trampoline_lowered:
0x8: {  	[smem:$0x3FAD] =	sst s0  }
0x9: {  	[smem:$0x3FAE] =	sst s1  }
0xa: {  	[smem:$0x3FAF] =	sst s2  }
0xb: {  	[smem:$0x3FB0] =	sst s3  }
0xc: {  	[smem:$0x3FB1] =	sst s4  }
0xd: {  	[smem:$0x3FB2] =	sst s5  }
0xe: {  	[smem:$0x3FB3] =	sst s6  }
0xf: {  	[smem:$0x3FB4] =	sst s7  }
0x10: {  	[smem:$0x3FB5] =	sst s8  }
0x11: {  	[smem:$0x3FB6] =	sst s9;
	s0 =	simm.s32 @!p0 $0x0  }
0x12: {  	s1 =	sld [smem:$0x3F9C];
	s0 =	simm.s32 @p0 $0x1  }
0x13: {  	[smem:$0x3FB7] =	sst s0;
	s0 =	simm.s32 @!p1 $0x0  }
0x14: {  	s2 =	sld [smem:$0x3F9B];
	s0 =	simm.s32 @p1 $0x1  }
0x15: {  	[smem:$0x3FB8] =	sst s0;
	s0 =	simm.s32 @!p2 $0x0  }
0x16: {  	s3 =	sld [smem:$0x3FDB];
	s0 =	simm.s32 @p2 $0x1  }
0x17: {  	s4 =	simm.s32 $0x1BF5;
	[smem:$0x3FBA] =	sst s0  }
0x18: {  	s0 =	sld [smem:$0x3F9D];
	_ =	swait.ge [sflag:s4], $0x0  }
0x19: {  	s7 =	sld [smem:$0x3F9E]  }
0x1a: {  	s8 =	sadd.s32 $0xFFFFE003, lr  }
0x1b: {  	s9 =	sadd.s32 $0xFFFFFEF7, lr;
	s5 =	simm.s32 $0xFFFFFFFF;
	p2 =	slt.u32 s8, $0xFFFFF086  }
0x1c: {  	p1 =	slt.u32 s9, $0xF7A;
	s5 =	simm.s32 @!p2 $0x0  }
0x1d: {  	s5 =	simm.s32 @p1 $0x1;
	p0 =	seq.s32 s7, s2  }
0x1e: {  	s7 =	smul.u32 @!p0 $0xF7A, s2;
	p2 =	seq.s32 @!p0 s5, $0x0  }
0x1f: {  	s9 =	smul.u32 $0xF7A, s1;
	s8 =	simm.s32 @!p0 $0x1BF5;
	p2 =	por !p2, p0  }
0x20: {  	[sflag:s8] =	ssyncset.s32 @!p0 $0xFFFFF086;
	s6 =	sadd.s32 @!p0 s3, s7;
	s7 =	simm.s32 @!p0 $0x108  }
0x21: {  	s3 =	sadd.s32 s3, s9;
	s6 =	sadd.s32 @!p0 $0x88, s6;
	s7 =	simm.s32 @p2 $0x1082  }
0x22: {  	[simem:s7], [sflag:s8] =	dma.local @!p0 [hbm:s6], $0xF7A  }
0x23: {  	s9 =	sor.u32 $0xD0000000, s2;
	s6 =	simm.s32 $0x108;
	_ =	swait.ge @!p0 [sflag:s8], $0x0  }
0x24: {  	s3 =	sadd.s32 $0x88, s3;
	s6 =	simm.s32 @!p1 $0x1082;
	[sflag:s4] =	ssyncset.s32 $0xFFFFF086  }
0x25: {  	[simem:s6], [sflag:s4] =	dma.local [hbm:s3], $0xF7A  }
0x26: {  	[smem:$0x3F9E] =	sst s1;
	(tag) =	ssettag s2;
	_ =	strace s9  }
0x27: {  	s1 =	sld [smem:$0x3FAE]  }
0x28: {  	s2 =	sld [smem:$0x3FAF]  }
0x29: {  	s4 =	sld [smem:$0x3FB1]  }
0x2a: {  	p0 =	seq.s32 s5, $0x0;
	s5 =	sld [smem:$0x3FB2]  }
0x2b: {  	s6 =	sld [smem:$0x3FB3]  }
0x2c: {  	s7 =	sld [smem:$0x3FB4]  }
0x2d: {  	s3 =	simm.s32 $0x108;
	s8 =	sld [smem:$0x3FB5]  }
0x2e: {  	s3 =	simm.s32 @!p0 $0x1082;
	s9 =	sld [smem:$0x3FB6]  }
0x2f: {  	lr =	sadd.s32 s0, s3;
	s0 =	sld [smem:$0x3FAD]  }
0x30: {  	s3 =	sld [smem:$0x3FB0]  }
0x31: {  	[smem:$0x3FB9] =	sst s10  }
0x32: {  	s10 =	sld [smem:$0x3FB7];
	_ =	sdelay $0x3  }
0x33: {  	p0 =	seq.s32 s10, $0x1;
	s10 =	sld [smem:$0x3FB9];
	_ =	sdelay $0x3  }
0x34: {  	[smem:$0x3FB9] =	sst s10  }
0x35: {  	s10 =	sld [smem:$0x3FB8];
	_ =	sdelay $0x3  }
0x36: {  	p1 =	seq.s32 s10, $0x1;
	s10 =	sld [smem:$0x3FB9];
	_ =	sdelay $0x3  }
0x37: {  	[smem:$0x3FB9] =	sst s10  }
0x38: {  	s10 =	sld [smem:$0x3FBA]  }
0x39: {  	_ = 	snop;
	(pc) =	sbr.ind lr, $3  }
0x3a: {  	_ = 	snop  }
0x3b: {  	_ = 	snop  }
0x3c: {  	p2 =	seq.s32 s10, $0x1;
	s10 =	sld [smem:$0x3FB9]  }
0x3d: {  	_ =	shalt  }
0x3e: {  	_ =	shalt  }
0x3f: {  	_ =	shalt  }
0x40: {  	_ =	shalt  }
0x41: {  	_ =	shalt  }
0x42: {  	_ =	shalt  }
0x43: {  	_ =	shalt  }
0x44: {  	_ =	shalt  }
0x45: {  	_ =	shalt  }
0x46: {  	_ =	shalt  }
0x47: {  	_ =	shalt  }
0x48: {  	_ =	shalt  }
0x49: {  	_ =	shalt  }
0x4a: {  	_ =	shalt  }
0x4b: {  	_ =	shalt  }
0x4c: {  	_ =	shalt  }
0x4d: {  	_ =	shalt  }
0x4e: {  	_ =	shalt  }
0x4f: {  	_ =	shalt  }
0x50: {  	_ =	shalt  }
0x51: {  	_ =	shalt  }
0x52: {  	_ =	shalt  }
0x53: {  	_ =	shalt  }
0x54: {  	_ =	shalt  }
0x55: {  	_ =	shalt  }
0x56: {  	_ =	shalt  }
0x57: {  	_ =	shalt  }
0x58: {  	_ =	shalt  }
0x59: {  	_ =	shalt  }
0x5a: {  	_ =	shalt  }
0x5b: {  	_ =	shalt  }
0x5c: {  	_ =	shalt  }
0x5d: {  	_ =	shalt  }
0x5e: {  	_ =	shalt  }
0x5f: {  	_ =	shalt  }
0x60: {  	_ =	shalt  }
0x61: {  	_ =	shalt  }
0x62: {  	_ =	shalt  }
0x63: {  	_ =	shalt  }
0x64: {  	_ =	shalt  }
0x65: {  	_ =	shalt  }
0x66: {  	_ =	shalt  }
0x67: {  	_ =	shalt  }
0x68: {  	_ =	shalt  }
0x69: {  	_ =	shalt  }
0x6a: {  	_ =	shalt  }
0x6b: {  	_ =	shalt  }
0x6c: {  	_ =	shalt  }
0x6d: {  	_ =	shalt  }
0x6e: {  	_ =	shalt  }
0x6f: {  	_ =	shalt  }
0x70: {  	_ =	shalt  }
0x71: {  	_ =	shalt  }
0x72: {  	_ =	shalt  }
0x73: {  	_ =	shalt  }
0x74: {  	_ =	shalt  }
0x75: {  	_ =	shalt  }
0x76: {  	_ =	shalt  }
0x77: {  	_ =	shalt  }
0x78: {  	_ =	shalt  }
0x79: {  	_ =	shalt  }
0x7a: {  	_ =	shalt  }
0x7b: {  	_ =	shalt  }
0x7c: {  	_ =	shalt  }
0x7d: {  	_ =	shalt  }
0x7e: {  	_ =	shalt  }
0x7f: {  	_ =	shalt  }
0x80: {  	_ =	shalt  }
0x81: {  	_ =	shalt  }
0x82: {  	_ =	shalt  }
0x83: {  	_ =	shalt  }
0x84: {  	_ =	shalt  }
0x85: {  	_ =	shalt  }
0x86: {  	_ =	shalt  }
0x87: {  	_ =	shalt  }
.Lfunc_end0:
.L_simem_size_0:
called_computation_lowered:
.L_overlay_start_0:
0x88: {  	s2 =	sld [smem:$0x3FD9]  }
0x89: {  	s3 =	sld [smem:$0x3FFE];
	_ =	sdelay $0x1  }
0x8a: {  	s1 =	srdreg.scid  }
0x8b: {  	s0 =	sand.u32 $0x1, s1  }
0x8c: {  	s18 =	sshll.u32 s0, $0xA;
	s2 =	sadd.s32 s3, s2  }
0x8d: {  	s3 =	sadd.s32 s2, s18  }
0x8e: {  	[smem:$0x3FC5] =	sst s3  }
0x8f: {  	_ = 	snop  }
0x90: {  	s3 =	sld [smem:$0x3FC9]  }
0x91: {  	s4 =	sld [smem:$0x3FC8]  }
0x92: {  	s5 =	sld [smem:$0x3FC7]  }
0x93: {  	s6 =	sld [smem:$0x3FD0];
	(tm) =	ssettm $0x1  }
0x94: {  	s7 =	sld [smem:$0x3FFB];
	_ =	sdelay $0x3  }
0x95: {  	_ =	strace s7  }
0x96: {  	s7 =	sld [smem:$0x3FFC];
	_ =	sdelay $0x3  }
0x97: {  	_ =	strace s7  }
0x98: {  	s7 =	sld [smem:$0x3FFD];
	_ =	sdelay $0x3  }
0x99: {  	_ =	strace s7  }
0x9a: {  	_ =	strace $0x8FFFFFFF  }
0x9b: {  	s19 =	sld [smem:$0x3FDB];
	_ =	sdelay $0x1  }
0x9c: {  	s8 =	simm.s32 $_scs_section_size  }
0x9d: {  	s9 =	simm.s32 $_size__tile_overlayer_lowered;
	s10 =	simm.s32 $_tile_overlayer_lowered  }
0x9e: {  	s22 =	simm.s32 $0x1BFF;
	s21 =	sshll.u32 s10, $0x1;
	s7 =	sadd.s32 s8, s19  }
0x9f: {  	s11 =	simm.s32 $0x0;
	s20 =	sshll.u32 s9, $0x1;
	s9 =	sadd.s32 s21, s7  }
0xa0: {  	[timem:s11], [sflag:s22] =	dma.local [hbm:s9], s20  }
0xa1: {  	_ =	swait.ge [sflag:s22], s20  }
0xa2: {  	s8 =	ssub.s32 $0x0, s20;
	[sflag:s22] =	ssyncset.done $0x0  }
0xa3: {  	[sflag:s22] =	ssyncadd.s32 s8;
	_ =	sdelay $0x1  }
0xa4: {  	s23 =	simm.s32 $0x1B8B  }
0xa5: {  	_ =	swait.ge [sflag:s23], $0x1  }
0xa6: {  	[sflag:s23] =	ssyncset.done $0x0  }
0xa7: {  	s24 =	simm.s32 $0x1B8E;
	[sflag:s23] =	ssyncadd.s32 $0xFFFFFFFF  }
0xa8: {  	s25 =	simm.s32 $execute0_lowered;
	[smem:$0x3FD2] =	sst s24  }
0xa9: {  	s8 =	sshll.u32 s25, $0x1;
	_ =	strace $0x80000046;
	[dreg:$0x1] =	wrdreg $0xFFFFFFFF  }
0xaa: {  	s26 =	simm.s32 $_size_execute0_lowered;
	s7 =	sadd.s32 s7, s8;
	[dreg:$0x0] =	wrdreg $0x0  }
0xab: {  	s8 =	sshll.u32 s26, $0x1;
	[dreg:$0x2] =	wrdreg s7  }
0xac: {  	[dreg:$0x3] =	wrdreg s8  }
0xad: {  	[dreg:$0x4] =	wrdreg $0xC0  }
0xae: {  	_ =	task [dreg:s11], $0x5FFFF  }
0xaf: {  	[dreg:$0x1] =	wrdreg $0xFFFFFFFF  }
0xb0: {  	[dreg:$0x0] =	wrdreg $0x60  }
0xb1: {  	[dreg:$0x2] =	wrdreg s3  }
0xb2: {  	[dreg:$0x3] =	wrdreg s4  }
0xb3: {  	[dreg:$0x4] =	wrdreg s5  }
0xb4: {  	[dreg:$0x5] =	wrdreg s6  }
0xb5: {  	s28 =	sadd.s32 $0x800, s2;
	[dreg:$0x6] =	wrdreg $0x0  }
0xb6: {  	s2 =	sadd.s32 $0x860800, s2;
	[dreg:$0x7] =	wrdreg s28  }
0xb7: {  	[dreg:$0x8] =	wrdreg s2  }
0xb8: {  	[dreg:$0x9] =	wrdreg $0x9  }
0xb9: {  	_ =	task.clear_ibuf [dreg:s11], $0xAFFFF;
	_ =	strace $0x90000046  }
0xba: {  	s29 =	simm.s32 $0x9;
	_ =	strace $0x80000048  }
0xbb: {  	_ =	swait.ge [sflag:s29], $0x1  }
0xbc: {  	[sflag:s29] =	ssyncadd.s32 $0xFFFFFFFF  }
0xbd: {  	_ =	strace $0x90000048  }
0xbe: {  	_ =	sfence  }
0xbf: {  	s30 =	sld [smem:$0x0];
	_ =	sdelay $0x2  }
0xc0: {  	s31 =	sshll.u32 s1, $0xD;
	s1 =	sshrl.u32 s1, $0x2  }
0xc1: {  	s3 =	sand.u32 $0x4000, s31;
	s1 =	sadd.s32 s1, s30  }
0xc2: {  	s0 =	sor.u32 s3, s0;
	s1 =	sshll.u32 s1, $0x11  }
0xc3: {  	s0 =	sor.u32 s1, s0  }
0xc4: {  	s0 =	sadd.s32 $0x8F2B, s0  }
0xc5: {  	[sflag:s0] =	ssyncadd.remote.s32 $0x1  }
0xc6: {  	_ =	sfence.sel $0xFFFF  }
0xc7: {  	[dreg:$0x0] =	wrdreg $0xFFFFFFFF;
	(pc) =	sbr.abs _section_cstart, $3  }
0xc8: {  	[dreg:$0x1] =	wrdreg $0xFFFFFFFF  }
0xc9: {  	_ =	task.clear_ibuf [dreg:s11], $0x2FFFF;
	_ =	strace $0x9FFFFFFF  }
0xca: {  	(tm) =	ssettm $0x7FFFFFFF  }
0xcb: {  	_ =	shalt  }
tec
execute0_lowered:
.L_overlay_start_1:
0x0: {  	(tag) =	ssettag $0x1  }
0x1: {  	s0 =	rddreg [dreg:$0x0]  }
0x2: {  	s1 =	rddreg [dreg:$0x1]  }
0x3: {  	s2 =	rddreg [dreg:$0x2]  }
0x4: {  	s5 =	rddreg [dreg:$0x4]  }
0x5: {  	s6 =	rddreg [dreg:$0x5]  }
0x6: {  	s7 =	rddreg [dreg:$0x6];
	s3 =	srdreg.scid;
	s8 =	simm.s32 $0x0  }
0x7: {  	s10 =	stileid.u32;
	s28 =	simm.s32 $0x12800;
	s29 =	simm.s32 $0x13000  }
0x8: {  	s30 =	simm.s32 $0x1E800;
	s31 =	simm.s32 $0x13800;
	s14 =	simm.s32 $0x3  }
0x9: {  	s3 =	sand.u32 $0x1, s3;
	[smem:$0x7FF] =	sst s8;
	s11 =	smul.u32 $0x1A000, s10  }
0xa: {  	s12 =	sshll.u32 s10, $0x10;
	s26 =	smul.u32 $0x43000, s10;
	p0 =	sne.s32 s10, $0x0  }
0xb: {  	_ =	strace $0x80000047;
	[dreg:$0x8] =	wrdreg s12;
	s24 =	sshll.u32 s3, $0x8  }
0xc: {  	s10 =	simm.s32 $0x80;
	s15 =	sadd.s32 s12, s5;
	[dreg:$0xa] =	wrdreg s24  }
0xd: {  	s4 =	ssub.s32 $0x2, s3;
	s20 =	sadd.s32 $0x2000, s15;
	[dreg:$0x9] =	wrdreg s15  }
0xe: {  	s25 =	smul.u32 $0x430000, s3;
	s21 =	sadd.s32 $0x4000, s15;
	[dreg:$0xc] =	wrdreg s20  }
0xf: {  	s19 =	smul.u32 $0x2180000, s3;
	s22 =	sadd.s32 $0x6000, s15;
	[dreg:$0xd] =	wrdreg s21  }
0x10: {  	s9 =	sshrl.u32 s4, $0x1;
	s23 =	sadd.s32 $0x8000, s15;
	[dreg:$0xe] =	wrdreg s22  }
0x11: {  	s24 =	sadd.s32 $0xA000, s15;
	s12 =	sadd.s32 $0xC000, s15;
	[dreg:$0xf] =	wrdreg s23  }
.Ltmp0:
0x12: {  	s16 =	sadd.s32 $0xE000, s15;
	[dreg:$0x10] =	wrdreg s24;
	(pc) =	sbr.rel .LBB2_1-.Ltmp0, $4  }
0x13: {  	s4 =	ssub.s32 s4, s9;
	s9 =	smov.u32 s12;
	[dreg:$0x12] =	wrdreg s16  }
0x14: {  	s3 =	simm.s32 $0x17800;
	s18 =	sadd.s32 s26, s25;
	[dreg:$0x11] =	wrdreg s9  }
0x15: {  	s25 =	simm.s32 $0x2;
	s4 =	smax.u32 s4, $0x1;
	[dreg:$0x13] =	wrdreg s18  }
0x16: {  	v0 =	vimm.f32 $0.0e+00;
	v1 =	vimm.s32 $0x0;
	v2 =	vlaneseq.u32;
	s26 =	simm.s32 $0x12000;
	s12 =	simm.s32 $0x0;
	[dreg:$0xb] =	wrdreg s4  }
.LBB2_35:
0x17: {  	s12 =	rddreg [dreg:$0x14]  }
0x18: {  	s4 =	rddreg [dreg:$0xb];
	s12 =	sadd.s32 $0x1, s12  }
0x19: {  	p1 =	sne.s32 s12, s4  }
.Ltmp1:
0x1a: {  	_ = 	snop;
	(pc) =	sbr.rel @!p1 .LBB2_36-.Ltmp1, $1  }
0x1b: {  	_ =	sdelay $0x3  }
.LBB2_1:
0x1c: {  	[dreg:$0x14] =	wrdreg s12;
	s4 =	simm.s32 $0x40;
	s12 =	simm.s32 $0x0  }
.LBB2_2:
0x1d: {  	p1 =	sne.s32 s4, $0x7FC0;
	[tilespmem:s12+$0x10000] =	vst v0;
	s12 =	smov.u32 s4;
	s4 =	sadd.s32 $0x40, s4  }
.Ltmp2:
0x1e: {  	(pc) =	sbr.rel @p1 .LBB2_2-.Ltmp2, $2  }
0x1f: {  	_ =	sdelay $0x2  }
0x20: {  	s12 =	sshra.s32 s12, $0x2  }
.Ltmp3:
0x21: {  	(pc) =	sbr.rel .LBB2_4-.Ltmp3, $3  }
0x22: {  	_ =	sdelay $0x1  }
0x23: {  	[tilespmem:s12+$0x10000] =	vst v0  }
0x24: {  	s13 =	simm.s32 $0x0;
	[tilespmem:$0x1E800] =	vst v1  }
.LBB2_30:
0x25: {  	s16 =	rddreg [dreg:$0x12]  }
.LBB2_33:
0x26: {  	s4 =	sor.u32 $0x1B800, s12;
	s9 =	sadd.s32 s15, s6;
	[sflag:s25] =	ssyncadd.s32 @p1 $0xFFFFFF80  }
0x27: {  	[tilespmem:s4], [sflag:$0x2] =	stream.linear.gather [hbm4b:s9+s8], $0x80, $0x38;
	[tilespmem:$0x1E880] =	vst v63  }
0x28: {  	_ =	swait.ge [sflag:s25], $0x80  }
0x29: {  	[sflag:s25] =	ssyncset.done $0x0  }
0x2a: {  	s17 =	sor.u32 $0x1C000, s12;
	s18 =	sadd.s32 s15, s7;
	[sflag:s25] =	ssyncadd.s32 $0xFFFFFF80  }
0x2b: {  	[tilespmem:s17], [sflag:$0x2] =	stream.linear.gather [hbm4b:s18+s8], $0x80, $0x38;
	[tilespmem:$0x1E880] =	vst v63  }
0x2c: {  	_ =	swait.ge [sflag:s25], $0x80  }
0x2d: {  	[sflag:s25] =	ssyncset.done $0x0  }
0x2e: {  	[sflag:s25] =	ssyncadd.s32 $0xFFFFFF80  }
0x2f: {  	[spmem:s5] =	stream.indirect.scatter.add.f32 [tilespmem:s17], [sflag:$0x2], $0x1, s4, s10, $0xb8;
	[tilespmem:$0x1E880] =	vst v63  }
0x30: {  	_ =	swait.ge [sflag:s25], $0x80  }
0x31: {  	[sflag:s25] =	ssyncset.done $0x0  }
0x32: {  	[sflag:s25] =	ssyncadd.s32 $0xFFFFFF80  }
.LBB2_34:
0x33: {  	[bflag:$0x0] =	sbarrier.arrive $0xFFFF  }
0x34: {  	s4 =	rddreg [dreg:$0x15]  }
0x35: {  	s17 =	simm.s32 $0x1C800;
	s15 =	rddreg [dreg:$0x9]  }
0x36: {  	[tilespmem:s17], [sflag:$0x2] =	stream.linear.gather [spmem:s15], $0x2000, $0x38;
	[tilespmem:$0x1E880] =	vst v63  }
0x37: {  	s9 =	rddreg [dreg:$0x8];
	_ =	swait.ge [sflag:s25], $0x2000  }
0x38: {  	s4 =	sshll.u32 s4, $0xC;
	[sflag:s25] =	ssyncset.done $0x0  }
0x39: {  	s4 =	sor.u32 s9, s4;
	[sflag:s25] =	ssyncadd.s32 $0xFFFFE000  }
0x3a: {  	s4 =	sshrl.u32 s4, $0x3;
	s12 =	rddreg [dreg:$0x3]  }
0x3b: {  	s12 =	sadd.s32 s12, s4  }
0x3c: {  	[hbm4b:s12+s8] =	stream.linear.scatter [tilespmem:s17], [sflag:$0x2], $0x2000, $0x38;
	[tilespmem:$0x1E880] =	vst v63  }
0x3d: {  	_ =	swait.ge [sflag:s25], $0x2000  }
0x3e: {  	[sflag:s25] =	ssyncset.done $0x0  }
0x3f: {  	[sflag:s25] =	ssyncadd.s32 $0xFFFFE000  }
0x40: {  	[tilespmem:s17], [sflag:$0x2] =	stream.linear.gather [spmem:s20], $0x2000, $0x38;
	[tilespmem:$0x1E880] =	vst v63  }
0x41: {  	_ =	swait.ge [sflag:s25], $0x2000  }
0x42: {  	[sflag:s25] =	ssyncset.done $0x0  }
0x43: {  	s4 =	sadd.s32 $0x400, s12;
	[sflag:s25] =	ssyncadd.s32 $0xFFFFE000  }
0x44: {  	[hbm4b:s4+s8] =	stream.linear.scatter [tilespmem:s17], [sflag:$0x2], $0x2000, $0x38;
	[tilespmem:$0x1E880] =	vst v63  }
0x45: {  	_ =	swait.ge [sflag:s25], $0x2000  }
0x46: {  	[sflag:s25] =	ssyncset.done $0x0  }
0x47: {  	[sflag:s25] =	ssyncadd.s32 $0xFFFFE000  }
0x48: {  	[tilespmem:s17], [sflag:$0x2] =	stream.linear.gather [spmem:s21], $0x2000, $0x38;
	[tilespmem:$0x1E880] =	vst v63  }
0x49: {  	_ =	swait.ge [sflag:s25], $0x2000  }
0x4a: {  	[sflag:s25] =	ssyncset.done $0x0  }
0x4b: {  	s18 =	sadd.s32 $0x800, s12;
	[sflag:s25] =	ssyncadd.s32 $0xFFFFE000  }
0x4c: {  	[hbm4b:s18+s8] =	stream.linear.scatter [tilespmem:s17], [sflag:$0x2], $0x2000, $0x38;
	[tilespmem:$0x1E880] =	vst v63  }
0x4d: {  	_ =	swait.ge [sflag:s25], $0x2000  }
0x4e: {  	[sflag:s25] =	ssyncset.done $0x0  }
0x4f: {  	[sflag:s25] =	ssyncadd.s32 $0xFFFFE000  }
0x50: {  	[tilespmem:s17], [sflag:$0x2] =	stream.linear.gather [spmem:s22], $0x2000, $0x38;
	[tilespmem:$0x1E880] =	vst v63  }
0x51: {  	_ =	swait.ge [sflag:s25], $0x2000  }
0x52: {  	[sflag:s25] =	ssyncset.done $0x0  }
0x53: {  	s9 =	sadd.s32 $0xC00, s12;
	[sflag:s25] =	ssyncadd.s32 $0xFFFFE000  }
0x54: {  	[hbm4b:s9+s8] =	stream.linear.scatter [tilespmem:s17], [sflag:$0x2], $0x2000, $0x38;
	[tilespmem:$0x1E880] =	vst v63  }
0x55: {  	_ =	swait.ge [sflag:s25], $0x2000  }
0x56: {  	[sflag:s25] =	ssyncset.done $0x0  }
0x57: {  	[sflag:s25] =	ssyncadd.s32 $0xFFFFE000  }
0x58: {  	[tilespmem:s17], [sflag:$0x2] =	stream.linear.gather [spmem:s23], $0x2000, $0x38;
	[tilespmem:$0x1E880] =	vst v63  }
0x59: {  	_ =	swait.ge [sflag:s25], $0x2000  }
0x5a: {  	[sflag:s25] =	ssyncset.done $0x0  }
0x5b: {  	s18 =	sadd.s32 $0x1000, s12;
	[sflag:s25] =	ssyncadd.s32 $0xFFFFE000  }
0x5c: {  	[hbm4b:s18+s8] =	stream.linear.scatter [tilespmem:s17], [sflag:$0x2], $0x2000, $0x38;
	[tilespmem:$0x1E880] =	vst v63  }
0x5d: {  	_ =	swait.ge [sflag:s25], $0x2000  }
0x5e: {  	[sflag:s25] =	ssyncset.done $0x0  }
0x5f: {  	[sflag:s25] =	ssyncadd.s32 $0xFFFFE000  }
0x60: {  	[tilespmem:s17], [sflag:$0x2] =	stream.linear.gather [spmem:s24], $0x2000, $0x38;
	[tilespmem:$0x1E880] =	vst v63  }
0x61: {  	_ =	swait.ge [sflag:s25], $0x2000  }
0x62: {  	[sflag:s25] =	ssyncset.done $0x0  }
0x63: {  	s9 =	sadd.s32 $0x1400, s12;
	[sflag:s25] =	ssyncadd.s32 $0xFFFFE000  }
0x64: {  	[hbm4b:s9+s8] =	stream.linear.scatter [tilespmem:s17], [sflag:$0x2], $0x2000, $0x38;
	[tilespmem:$0x1E880] =	vst v63  }
0x65: {  	_ =	swait.ge [sflag:s25], $0x2000  }
0x66: {  	[sflag:s25] =	ssyncset.done $0x0  }
0x67: {  	s9 =	rddreg [dreg:$0x11];
	[sflag:s25] =	ssyncadd.s32 $0xFFFFE000  }
0x68: {  	[tilespmem:s17], [sflag:$0x2] =	stream.linear.gather [spmem:s9], $0x2000, $0x38;
	[tilespmem:$0x1E880] =	vst v63  }
0x69: {  	_ =	swait.ge [sflag:s25], $0x2000  }
0x6a: {  	[sflag:s25] =	ssyncset.done $0x0  }
0x6b: {  	s18 =	sadd.s32 $0x1800, s12;
	[sflag:s25] =	ssyncadd.s32 $0xFFFFE000  }
0x6c: {  	[hbm4b:s18+s8] =	stream.linear.scatter [tilespmem:s17], [sflag:$0x2], $0x2000, $0x38;
	[tilespmem:$0x1E880] =	vst v63  }
0x6d: {  	_ =	swait.ge [sflag:s25], $0x2000  }
0x6e: {  	[sflag:s25] =	ssyncset.done $0x0  }
0x6f: {  	[sflag:s25] =	ssyncadd.s32 $0xFFFFE000  }
0x70: {  	[tilespmem:s17], [sflag:$0x2] =	stream.linear.gather [spmem:s16], $0x2000, $0x38;
	[tilespmem:$0x1E880] =	vst v63  }
0x71: {  	s13 =	sadd.s32 $0x1, s13;
	_ =	swait.ge [sflag:s25], $0x2000  }
0x72: {  	p1 =	sne.s32 s13, $0x8;
	[sflag:s25] =	ssyncset.done $0x0  }
.Ltmp4:
0x73: {  	s18 =	sadd.s32 $0x1C00, s12;
	[sflag:s25] =	ssyncadd.s32 $0xFFFFE000;
	(pc) =	sbr.rel @!p1 .LBB2_35-.Ltmp4, $4  }
0x74: {  	[hbm4b:s18+s8] =	stream.linear.scatter [tilespmem:s17], [sflag:$0x2], $0x2000, $0x38;
	[tilespmem:$0x1E880] =	vst v63  }
0x75: {  	_ =	swait.ge [sflag:s25], $0x2000  }
0x76: {  	[sflag:s25] =	ssyncset.done $0x0  }
0x77: {  	[sflag:s25] =	ssyncadd.s32 $0xFFFFE000  }
.LBB2_4:
0x78: {  	s4 =	simm.s32 @!p0 $0x0  }
0x79: {  	s18 =	simm.s32 $0x10000;
	[smem:$0x0] =	sst @!p0 s4  }
0x7a: {  	[spmem:s15] =	stream.linear.scatter [tilespmem:s18], [sflag:$0x2], $0x2000, $0x38;
	[tilespmem:$0x1E880] =	vst v63  }
0x7b: {  	[smem:$0x1] =	sst @!p0 s4  }
0x7c: {  	[smem:$0x2] =	sst @!p0 s4  }
0x7d: {  	[smem:$0x3] =	sst @!p0 s4  }
0x7e: {  	[smem:$0x4] =	sst @!p0 s4  }
0x7f: {  	[smem:$0x5] =	sst @!p0 s4  }
0x80: {  	[smem:$0x6] =	sst @!p0 s4  }
0x81: {  	[smem:$0x7] =	sst @!p0 s4  }
0x82: {  	[smem:$0x8] =	sst @!p0 s4  }
0x83: {  	[smem:$0x9] =	sst @!p0 s4  }
0x84: {  	[smem:$0xA] =	sst @!p0 s4  }
0x85: {  	[smem:$0xB] =	sst @!p0 s4  }
0x86: {  	[smem:$0xC] =	sst @!p0 s4  }
0x87: {  	[smem:$0xD] =	sst @!p0 s4  }
0x88: {  	[smem:$0xE] =	sst @!p0 s4  }
0x89: {  	[smem:$0xF] =	sst @!p0 s4  }
0x8a: {  	_ =	swait.ge [sflag:s25], $0x2000  }
0x8b: {  	[sflag:s25] =	ssyncset.done $0x0  }
0x8c: {  	[sflag:s25] =	ssyncadd.s32 $0xFFFFE000  }
0x8d: {  	[spmem:s20] =	stream.linear.scatter [tilespmem:s18], [sflag:$0x2], $0x2000, $0x38;
	[tilespmem:$0x1E880] =	vst v63  }
0x8e: {  	_ =	swait.ge [sflag:s25], $0x2000  }
0x8f: {  	[sflag:s25] =	ssyncset.done $0x0  }
0x90: {  	[sflag:s25] =	ssyncadd.s32 $0xFFFFE000  }
0x91: {  	[spmem:s21] =	stream.linear.scatter [tilespmem:s18], [sflag:$0x2], $0x2000, $0x38;
	[tilespmem:$0x1E880] =	vst v63  }
0x92: {  	_ =	swait.ge [sflag:s25], $0x2000  }
0x93: {  	[sflag:s25] =	ssyncset.done $0x0  }
0x94: {  	[sflag:s25] =	ssyncadd.s32 $0xFFFFE000  }
0x95: {  	[spmem:s22] =	stream.linear.scatter [tilespmem:s18], [sflag:$0x2], $0x2000, $0x38;
	[tilespmem:$0x1E880] =	vst v63  }
0x96: {  	_ =	swait.ge [sflag:s25], $0x2000  }
0x97: {  	[sflag:s25] =	ssyncset.done $0x0  }
0x98: {  	[sflag:s25] =	ssyncadd.s32 $0xFFFFE000  }
0x99: {  	[spmem:s23] =	stream.linear.scatter [tilespmem:s18], [sflag:$0x2], $0x2000, $0x38;
	[tilespmem:$0x1E880] =	vst v63  }
0x9a: {  	_ =	swait.ge [sflag:s25], $0x2000  }
0x9b: {  	[sflag:s25] =	ssyncset.done $0x0  }
0x9c: {  	[sflag:s25] =	ssyncadd.s32 $0xFFFFE000  }
0x9d: {  	[spmem:s24] =	stream.linear.scatter [tilespmem:s18], [sflag:$0x2], $0x2000, $0x38;
	[tilespmem:$0x1E880] =	vst v63  }
0x9e: {  	_ =	swait.ge [sflag:s25], $0x2000  }
0x9f: {  	[sflag:s25] =	ssyncset.done $0x0  }
0xa0: {  	[sflag:s25] =	ssyncadd.s32 $0xFFFFE000  }
0xa1: {  	[spmem:s9] =	stream.linear.scatter [tilespmem:s18], [sflag:$0x2], $0x2000, $0x38;
	[tilespmem:$0x1E880] =	vst v63  }
0xa2: {  	_ =	swait.ge [sflag:s25], $0x2000  }
0xa3: {  	[sflag:s25] =	ssyncset.done $0x0  }
0xa4: {  	[sflag:s25] =	ssyncadd.s32 $0xFFFFE000  }
0xa5: {  	[spmem:s16] =	stream.linear.scatter [tilespmem:s18], [sflag:$0x2], $0x2000, $0x38;
	[tilespmem:$0x1E880] =	vst v63  }
.Ltmp5:
0xa6: {  	_ =	swait.ge [sflag:s25], $0x2000;
	(pc) =	sbr.rel .LBB2_5-.Ltmp5, $4  }
0xa7: {  	s23 =	sshll.u32 s13, $0x9;
	s24 =	rddreg [dreg:$0xa];
	[sflag:s25] =	ssyncset.done $0x0  }
0xa8: {  	s9 =	sor.u32 s24, s23;
	[sflag:s25] =	ssyncadd.s32 $0xFFFFE000  }
0xa9: {  	s4 =	sadd.s32 $0x100, s9;
	[bflag:$0x0] =	sbarrier.arrive $0xFFFF  }
0xaa: {  	s12 =	simm.s32 $0x0;
	v3 =	vmov s9;
	[dreg:$0x15] =	wrdreg s9;
	v4 =	vmov s4  }
.LBB2_17:
0xab: {  	s12 =	sadd.s32 $0x1, s12  }
0xac: {  	p1 =	sne.s32 s12, $0x34  }
.Ltmp6:
0xad: {  	_ = 	snop;
	(pc) =	sbr.rel @!p1 .LBB2_18-.Ltmp6, $1  }
0xae: {  	_ =	sdelay $0x3  }
.LBB2_5:
0xaf: {  	s4 =	sshll.u32 s12, $0xB  }
0xb0: {  	s4 =	sadd.s32 s11, s4  }
0xb1: {  	s4 =	sshrl.u32 s4, $0x3  }
0xb2: {  	s15 =	simm.s32 $0x0;
	s16 =	sadd.s32 s0, s4  }
0xb3: {  	[tilespmem:s26], [sflag:$0x2] =	stream.linear.gather [hbm4b:s16+s15], $0x800, $0x38;
	[tilespmem:$0x1E880] =	vst v63  }
0xb4: {  	_ =	swait.ge [sflag:s25], $0x800  }
0xb5: {  	[sflag:s25] =	ssyncset.done $0x0  }
0xb6: {  	s24 =	sadd.s32 s1, s4;
	[sflag:s25] =	ssyncadd.s32 $0xFFFFF800  }
0xb7: {  	[tilespmem:s28], [sflag:$0x2] =	stream.linear.gather [hbm4b:s24+s15], $0x800, $0x38;
	[tilespmem:$0x1E880] =	vst v63  }
0xb8: {  	_ =	swait.ge [sflag:s25], $0x800  }
0xb9: {  	[sflag:s25] =	ssyncset.done $0x0  }
.Ltmp7:
0xba: {  	s4 =	sadd.s32 s2, s4;
	[sflag:s25] =	ssyncadd.s32 $0xFFFFF800;
	(pc) =	sbr.rel .LBB2_6-.Ltmp7, $4  }
0xbb: {  	[tilespmem:s29], [sflag:$0x2] =	stream.linear.gather [hbm4b:s4+s15], $0x800, $0x38;
	[tilespmem:$0x1E880] =	vst v63  }
0xbc: {  	_ =	swait.ge [sflag:s25], $0x800  }
0xbd: {  	[sflag:s25] =	ssyncset.done $0x0  }
0xbe: {  	[sflag:s25] =	ssyncadd.s32 $0xFFFFF800  }
.LBB2_16:
0xbf: {  	s15 =	sadd.s32 $0x1, s15  }
0xc0: {  	p1 =	sne.s32 s15, $0x80  }
.Ltmp8:
0xc1: {  	_ = 	snop;
	(pc) =	sbr.rel @!p1 .LBB2_17-.Ltmp8, $1  }
0xc2: {  	_ =	sdelay $0x3  }
.LBB2_6:
0xc3: {  	s4 =	sshll.u32 s15, $0x4  }
0xc4: {  	v5 =	vld [tilespmem:s4+$0x12000]  }
0xc5: {  	v6 =	vld [tilespmem:s4+$0x13000]  }
0xc6: {  	v7 =	vld [tilespmem:s4+$0x12800];
	_ =	sdelay $0x2  }
0xc7: {  	v8 =	vsub.s32 v5, v3  }
0xc8: {  	v6 =	vsub.f32 $0.0e+00, v6;
	v8 =	vshll.u32 v8, $0xC  }
0xc9: {  	vm0 =	vge.s32 v5, v3;
	v7 =	vadd.s32 v7, v8  }
0xca: {  	vm1 =	vlt.s32 v5, v4;
	v5 =	vmul.f32 $1.442695020e+00, v6;
	v6 =	vshrl.u32 v7, $0x10  }
0xcb: {  	vm0 =	vmand vm0, vm1;
	v6 =	vand.u32 $0xF, v6  }
0xcc: {  	(erf) = vpow2.f32 v5;
	(xrf1) =	vunique.msk.u32 vm0, v6;
	_ =	sdelay $0x8  }
0xcd: {  	v62 =	vld.idx.msk [tilespmem:v6+s30+$0x0], $0xffff;
	v5 =	vpop (erf)  }
0xce: {  	v5 =	vadd.f32 $1.000000000e+00, v5;
	_ =	sdelay $0x1  }
0xcf: {  	(erf) = vrcp.f32 v5  }
0xd0: {  	v5 =	vshll.u32 v6, $0xA  }
0xd1: {  	v5 =	vadd.s32 v5, v62;
	_, v9, vm15 =	vpop (xrf1)  }
0xd2: {  	v5 =	vadd.s32 v9, v5  }
0xd3: {  	v5 =	vadd.s32 $0xFFFFFFFF, v5  }
0xd4: {  	vm1 =	vmand vm0, vm15;
	_ =	sdelay $0x3  }
0xd5: {  	v63 =	vpop (erf);
	[tilespmem:v5+s31+$0x0] =	vst.idx.msk vm0, v7  }
0xd6: {  	s24 =	sand.u32 $0x7, s15;
	[tilespmem:v5+s3+$0x0] =	vst.idx.msk vm0, v63  }
0xd7: {  	p1 =	sne.s32 s24, $0x0;
	[tilespmem:v6+s30+$0x0] =	vst.idx.add.s32.msk vm1, v9  }
0xd8: {  	v5 =	vld @!p1 [tilespmem:$0x1E800];
	_ =	sdelay $0x4  }
0xd9: {  	vm0 =	vgt.s32 @!p1 v5, $0x37F  }
0xda: {  	v6 =	vmpcnt.ones.xlane @!p1 vm0;
	_ =	sdelay $0x1  }
0xdb: {  	(v2sf) =	vpush @!p1 v6, $0x0;
	_ =	sdelay $0xe  }
0xdc: {  	s4 =	spop @!p1 (v2sf)  }
0xdd: {  	p2 =	slt.s32 @!p1 s4, $0x1  }
0xde: {  	p2 =	por p1, p2  }
.Ltmp9:
0xdf: {  	_ = 	snop;
	(pc) =	sbr.rel @p2 .LBB2_16-.Ltmp9, $1  }
0xe0: {  	_ =	sdelay $0x3  }
.Ltmp10:
0xe1: {  	(pc) =	sbr.rel .LBB2_8-.Ltmp10, $3  }
0xe2: {  	_ =	sdelay $0x1  }
0xe3: {  	s16 =	simm.s32 @!p1 $0x0  }
0xe4: {  	s24 =	simm.s32 @!p1 $0x13800;
	s21 =	simm.s32 @!p1 $0x17800;
	s22 =	smov.u32 s19  }
.LBB2_10:
0xe5: {  	s17 =	smov.u32 s24;
	s18 =	smov.u32 s21  }
.LBB2_14:
0xe6: {  	s4 =	sadd.s32 @p1 $0x80, s17;
	s9 =	smov.u32 s24  }
0xe7: {  	s23 =	sadd.s32 s20, s6;
	[sflag:s14] =	ssyncadd.s32 @p1 $0xFFFFFF80;
	s9 =	smov.u32 @p1 s4  }
0xe8: {  	[hbm4b:s23+s8] =	stream.linear.scatter [tilespmem:s9], [sflag:$0x3], $0x80, $0x38;
	[tilespmem:$0x1E880] =	vst v63  }
0xe9: {  	_ =	swait.ge [sflag:s14], $0x80  }
0xea: {  	[sflag:s14] =	ssyncset.done $0x0  }
0xeb: {  	s23 =	sadd.s32 s20, s7;
	[sflag:s14] =	ssyncadd.s32 $0xFFFFFF80  }
0xec: {  	[hbm4b:s23+s8] =	stream.linear.scatter [tilespmem:s18], [sflag:$0x3], $0x80, $0x38;
	[tilespmem:$0x1E880] =	vst v63  }
0xed: {  	_ =	swait.ge [sflag:s14], $0x80  }
0xee: {  	[sflag:s14] =	ssyncset.done $0x0  }
0xef: {  	[sflag:s14] =	ssyncadd.s32 $0xFFFFFF80  }
.LBB2_15:
0xf0: {  	s16 =	sadd.s32 $0x1, s16  }
0xf1: {  	p1 =	sne.s32 s16, $0x10  }
.Ltmp11:
0xf2: {  	_ = 	snop;
	(pc) =	sbr.rel @!p1 .LBB2_16-.Ltmp11, $3  }
0xf3: {  	_ =	sdelay $0x1  }
0xf4: {  	v5 =	vsel vm0, $0x0, v5  }
0xf5: {  	s22 =	sadd.s32 $0x218000, s22;
	s24 =	sadd.s32 $0x400, s24;
	s21 =	sadd.s32 $0x400, s21;
	[tilespmem:$0x1E800] =	vst v5  }
.LBB2_8:
0xf6: {  	v6 =	vmov s16  }
0xf7: {  	vm0 =	veq.s32 v6, v2  }
0xf8: {  	v6 =	vnsel vm0, $0x0, v5  }
0xf9: {  	(xrf0) =	vadd.scan.msk.s32 $0xffff, v6;
	_ =	sdelay $0x5  }
0xfa: {  	v6, _, _ =	vpop (xrf0)  }
0xfb: {  	(v2sf) =	vpush v6, $0xF;
	_ =	sdelay $0xe  }
0xfc: {  	v6 =	vbroadcast v6, $0xF;
	s4 =	spop (v2sf)  }
0xfd: {  	s17 =	sadd.s32 $0x7F, s4  }
0xfe: {  	v6 =	vadd.s32 v2, v6;
	s18 =	sand.u32 $0xFFFFFF80, s17  }
0xff: {  	s20 =	sshll.u32 s16, $0xA;
	s23 =	sadd.s32 $0x10, s4;
	vm1 =	vlt.s32 v6, s18  }
0x100: {  	v7 =	vadd.s32 s23, v2;
	v6 =	vadd.s32 s20, v6  }
0x101: {  	s9 =	sadd.s32 $0x20, s4;
	vm2 =	vlt.s32 v7, s18  }
0x102: {  	v8 =	vadd.s32 s9, v2;
	v7 =	vadd.s32 s20, v7  }
0x103: {  	s23 =	sshll.u32 s16, $0x10;
	s9 =	sadd.s32 $0x30, s4;
	vm3 =	vlt.s32 v8, s18  }
0x104: {  	v9 =	vmov s23;
	v8 =	vadd.s32 s20, v8;
	v10 =	vadd.s32 s9, v2  }
0x105: {  	s23 =	sadd.s32 $0x40, s4;
	vm4 =	vlt.s32 v10, s18;
	[tilespmem:v6+s31+$0x0] =	vst.idx.msk vm1, v9  }
0x106: {  	v59 =	vadd.s32 s23, v2;
	[tilespmem:v6+s3+$0x0] =	vst.idx.msk vm1, v0;
	v6 =	vadd.s32 s20, v10  }
0x107: {  	s23 =	sadd.s32 $0x50, s4;
	vm1 =	vlt.s32 v59, s18;
	[tilespmem:v7+s31+$0x0] =	vst.idx.msk vm2, v9  }
0x108: {  	v60 =	vadd.s32 s23, v2;
	[tilespmem:v7+s3+$0x0] =	vst.idx.msk vm2, v0;
	v7 =	vadd.s32 s20, v59  }
0x109: {  	s23 =	sadd.s32 $0x60, s4;
	vm2 =	vlt.s32 v60, s18;
	[tilespmem:v8+s31+$0x0] =	vst.idx.msk vm3, v9  }
0x10a: {  	v61 =	vadd.s32 s20, v60;
	v62 =	vadd.s32 s23, v2;
	[tilespmem:v8+s3+$0x0] =	vst.idx.msk vm3, v0  }
0x10b: {  	s4 =	sadd.s32 $0x70, s4;
	vm3 =	vlt.s32 v62, s18;
	[tilespmem:v6+s31+$0x0] =	vst.idx.msk vm4, v9  }
0x10c: {  	v63 =	vadd.s32 s4, v2;
	[tilespmem:v6+s3+$0x0] =	vst.idx.msk vm4, v0;
	v6 =	vadd.s32 s20, v62  }
0x10d: {  	vm15 =	vlt.s32 v63, s18;
	[tilespmem:v7+s31+$0x0] =	vst.idx.msk vm1, v9  }
0x10e: {  	[tilespmem:v7+s3+$0x0] =	vst.idx.msk vm1, v0;
	v7 =	vadd.s32 s20, v63  }
0x10f: {  	[tilespmem:v61+s31+$0x0] =	vst.idx.msk vm2, v9  }
0x110: {  	[tilespmem:v61+s3+$0x0] =	vst.idx.msk vm2, v0  }
0x111: {  	[tilespmem:v6+s31+$0x0] =	vst.idx.msk vm3, v9  }
0x112: {  	[tilespmem:v6+s3+$0x0] =	vst.idx.msk vm3, v0  }
0x113: {  	[tilespmem:v7+s31+$0x0] =	vst.idx.msk vm15, v9  }
0x114: {  	[tilespmem:v7+s3+$0x0] =	vst.idx.msk vm15, v0  }
0x115: {  	_ =	sdelay $0x7ff  }
0x116: {  	s17 =	sshrl.u32 s17, $0x7;
	_ =	sdelay $0x15e  }
0x117: {  	p1 =	seq.s32 s17, $0x0;
	[sflag:s25] =	ssyncset.done $0x0  }
.Ltmp12:
0x118: {  	[smem:s16], [sflag:$0x2] =	smem.add.s32 s18;
	(pc) =	sbr.rel @p1 .LBB2_15-.Ltmp12, $4  }
0x119: {  	_ =	swait.done [sflag:s25]  }
0x11a: {  	s4 =	ssyncread [sflag:$0x2]  }
0x11b: {  	[sflag:s25] =	ssyncset.s32 $0x0  }
0x11c: {  	[sflag:s25] =	ssyncset.done $0x0  }
0x11d: {  	p2 =	sne.s32 s17, $0x1  }
.Ltmp13:
0x11e: {  	_ = 	snop;
	(pc) =	sbr.rel @!p2 .LBB2_10-.Ltmp13, $3  }
0x11f: {  	_ =	sdelay $0x1  }
0x120: {  	s4 =	sadd.s32 s22, s4  }
0x121: {  	s17 =	sadd.s32 $0xFFFFFFFF, s17;
	p1 =	por $0x0, $0x0;
	s20 =	sshrl.u32 s4, $0x3  }
0x122: {  	s9 =	sadd.s32 s20, s6  }
0x123: {  	[hbm4b:s9+s8] =	stream.linear.scatter [tilespmem:s24], [sflag:$0x3], $0x80, $0x38;
	[tilespmem:$0x1E880] =	vst v63  }
0x124: {  	p2 =	sne.s32 s17, $0x1;
	_ =	swait.ge [sflag:s14], $0x80  }
.Ltmp14:
0x125: {  	s23 =	sadd.s32 s20, s7;
	[sflag:s14] =	ssyncset.done $0x0;
	(pc) =	sbr.rel @!p2 .LBB2_12-.Ltmp14, $4  }
0x126: {  	s4 =	sadd.s32 $0x80, s4;
	s18 =	sadd.s32 $0x80, s21;
	[sflag:s14] =	ssyncadd.s32 $0xFFFFFF80  }
0x127: {  	[hbm4b:s23+s8] =	stream.linear.scatter [tilespmem:s21], [sflag:$0x3], $0x80, $0x38;
	[tilespmem:$0x1E880] =	vst v63  }
0x128: {  	p1 =	por $0x1, $0x1;
	s20 =	sshrl.u32 s4, $0x3;
	_ =	swait.ge [sflag:s14], $0x80  }
0x129: {  	s23 =	sadd.s32 $0xFFFFFFFF, s17;
	s17 =	smov.u32 s24;
	[sflag:s14] =	ssyncset.done $0x0  }
.LBB2_13:
0x12a: {  	s9 =	sadd.s32 s20, s6;
	[sflag:s14] =	ssyncadd.s32 $0xFFFFFF80;
	s17 =	sadd.s32 $0x80, s17  }
0x12b: {  	[hbm4b:s9+s8] =	stream.linear.scatter [tilespmem:s17], [sflag:$0x3], $0x80, $0x38;
	[tilespmem:$0x1E880] =	vst v63  }
0x12c: {  	p2 =	sne.s32 s23, $0x1;
	s23 =	sadd.s32 $0xFFFFFFFF, s23;
	_ =	swait.ge [sflag:s14], $0x80  }
.Ltmp15:
0x12d: {  	[sflag:s14] =	ssyncset.done $0x0;
	(pc) =	sbr.rel @p2 .LBB2_13-.Ltmp15, $4  }
0x12e: {  	s9 =	sadd.s32 s20, s7;
	[sflag:s14] =	ssyncadd.s32 $0xFFFFFF80  }
0x12f: {  	[hbm4b:s9+s8] =	stream.linear.scatter [tilespmem:s18], [sflag:$0x3], $0x80, $0x38;
	[tilespmem:$0x1E880] =	vst v63  }
0x130: {  	s4 =	sadd.s32 $0x80, s4;
	_ =	swait.ge [sflag:s14], $0x80  }
0x131: {  	s20 =	sshrl.u32 s4, $0x3;
	s18 =	sadd.s32 $0x80, s18;
	[sflag:s14] =	ssyncset.done $0x0  }
.Ltmp16:
0x132: {  	_ = 	snop;
	(pc) =	sbr.rel .LBB2_14-.Ltmp16, $1  }
0x133: {  	_ =	sdelay $0x3  }
.LBB2_12:
.Ltmp17:
0x134: {  	(pc) =	sbr.rel .LBB2_14-.Ltmp17, $2  }
0x135: {  	_ =	sdelay $0x2  }
0x136: {  	s17 =	smov.u32 s24  }
.LBB2_18:
.Ltmp18:
0x137: {  	(pc) =	sbr.rel .LBB2_19-.Ltmp18, $3  }
0x138: {  	_ =	sdelay $0x1  }
0x139: {  	s12 =	simm.s32 $0x0;
	s15 =	simm.s32 $0x13800;
	s23 =	rddreg [dreg:$0xf]  }
0x13a: {  	s16 =	simm.s32 $0x17800;
	s17 =	smov.u32 s19;
	s24 =	rddreg [dreg:$0x10]  }
.LBB2_21:
0x13b: {  	s21 =	smov.u32 s15;
	s20 =	smov.u32 s16  }
.LBB2_25:
0x13c: {  	s4 =	sadd.s32 @p1 $0x80, s21;
	s9 =	smov.u32 s15  }
0x13d: {  	s22 =	sadd.s32 s18, s6;
	[sflag:s14] =	ssyncadd.s32 @p1 $0xFFFFFF80;
	s9 =	smov.u32 @p1 s4  }
0x13e: {  	[hbm4b:s22+s8] =	stream.linear.scatter [tilespmem:s9], [sflag:$0x3], $0x80, $0x38;
	[tilespmem:$0x1E880] =	vst v63  }
0x13f: {  	_ =	swait.ge [sflag:s14], $0x80  }
0x140: {  	[sflag:s14] =	ssyncset.done $0x0  }
0x141: {  	s22 =	sadd.s32 s18, s7;
	[sflag:s14] =	ssyncadd.s32 $0xFFFFFF80  }
0x142: {  	[hbm4b:s22+s8] =	stream.linear.scatter [tilespmem:s20], [sflag:$0x3], $0x80, $0x38;
	[tilespmem:$0x1E880] =	vst v63  }
0x143: {  	_ =	swait.ge [sflag:s14], $0x80  }
0x144: {  	[sflag:s14] =	ssyncset.done $0x0  }
0x145: {  	[sflag:s14] =	ssyncadd.s32 $0xFFFFFF80  }
.LBB2_26:
0x146: {  	s12 =	sadd.s32 $0x1, s12  }
0x147: {  	p1 =	sne.s32 s12, $0x10  }
.Ltmp19:
0x148: {  	_ = 	snop;
	(pc) =	sbr.rel @!p1 .LBB2_27-.Ltmp19, $3  }
0x149: {  	_ =	sdelay $0x1  }
0x14a: {  	v3 =	vsel vm0, $0x0, v3  }
0x14b: {  	s17 =	sadd.s32 $0x218000, s17;
	s15 =	sadd.s32 $0x400, s15;
	s16 =	sadd.s32 $0x400, s16;
	[tilespmem:$0x1E800] =	vst v3  }
.LBB2_19:
0x14c: {  	v3 =	vld [tilespmem:$0x1E800];
	_ =	sdelay $0x2  }
0x14d: {  	v4 =	vmov s12  }
0x14e: {  	vm0 =	veq.s32 v4, v2  }
0x14f: {  	v4 =	vnsel vm0, $0x0, v3  }
0x150: {  	(xrf0) =	vadd.scan.msk.s32 $0xffff, v4;
	_ =	sdelay $0x5  }
0x151: {  	v4, _, _ =	vpop (xrf0)  }
0x152: {  	(v2sf) =	vpush v4, $0xF;
	_ =	sdelay $0xe  }
0x153: {  	v4 =	vbroadcast v4, $0xF;
	s4 =	spop (v2sf)  }
0x154: {  	s9 =	sadd.s32 $0x7F, s4  }
0x155: {  	v4 =	vadd.s32 v2, v4;
	s18 =	sand.u32 $0xFFFFFF80, s9  }
0x156: {  	s20 =	sshll.u32 s12, $0xA;
	s21 =	sadd.s32 $0x10, s4;
	vm1 =	vlt.s32 v4, s18  }
0x157: {  	v5 =	vadd.s32 s21, v2;
	v4 =	vadd.s32 s20, v4  }
0x158: {  	s22 =	sadd.s32 $0x20, s4;
	vm2 =	vlt.s32 v5, s18  }
0x159: {  	v6 =	vadd.s32 s22, v2;
	v5 =	vadd.s32 s20, v5  }
0x15a: {  	s21 =	sshll.u32 s12, $0x10;
	s22 =	sadd.s32 $0x30, s4;
	vm3 =	vlt.s32 v6, s18  }
0x15b: {  	v7 =	vmov s21;
	v6 =	vadd.s32 s20, v6;
	v8 =	vadd.s32 s22, v2  }
0x15c: {  	s22 =	sadd.s32 $0x40, s4;
	vm4 =	vlt.s32 v8, s18;
	[tilespmem:v4+s31+$0x0] =	vst.idx.msk vm1, v7  }
0x15d: {  	v59 =	vadd.s32 s22, v2;
	[tilespmem:v4+s3+$0x0] =	vst.idx.msk vm1, v0;
	v4 =	vadd.s32 s20, v8  }
0x15e: {  	s22 =	sadd.s32 $0x50, s4;
	vm1 =	vlt.s32 v59, s18;
	[tilespmem:v5+s31+$0x0] =	vst.idx.msk vm2, v7  }
0x15f: {  	v60 =	vadd.s32 s22, v2;
	[tilespmem:v5+s3+$0x0] =	vst.idx.msk vm2, v0;
	v5 =	vadd.s32 s20, v59  }
0x160: {  	s22 =	sadd.s32 $0x60, s4;
	vm2 =	vlt.s32 v60, s18;
	[tilespmem:v6+s31+$0x0] =	vst.idx.msk vm3, v7  }
0x161: {  	v61 =	vadd.s32 s20, v60;
	v62 =	vadd.s32 s22, v2;
	[tilespmem:v6+s3+$0x0] =	vst.idx.msk vm3, v0  }
0x162: {  	s4 =	sadd.s32 $0x70, s4;
	vm3 =	vlt.s32 v62, s18;
	[tilespmem:v4+s31+$0x0] =	vst.idx.msk vm4, v7  }
0x163: {  	v63 =	vadd.s32 s4, v2;
	[tilespmem:v4+s3+$0x0] =	vst.idx.msk vm4, v0;
	v4 =	vadd.s32 s20, v62  }
0x164: {  	vm15 =	vlt.s32 v63, s18;
	[tilespmem:v5+s31+$0x0] =	vst.idx.msk vm1, v7  }
0x165: {  	[tilespmem:v5+s3+$0x0] =	vst.idx.msk vm1, v0;
	v5 =	vadd.s32 s20, v63  }
0x166: {  	[tilespmem:v61+s31+$0x0] =	vst.idx.msk vm2, v7  }
0x167: {  	[tilespmem:v61+s3+$0x0] =	vst.idx.msk vm2, v0  }
0x168: {  	[tilespmem:v4+s31+$0x0] =	vst.idx.msk vm3, v7  }
0x169: {  	[tilespmem:v4+s3+$0x0] =	vst.idx.msk vm3, v0  }
0x16a: {  	[tilespmem:v5+s31+$0x0] =	vst.idx.msk vm15, v7  }
0x16b: {  	[tilespmem:v5+s3+$0x0] =	vst.idx.msk vm15, v0  }
0x16c: {  	_ =	sdelay $0x7ff  }
0x16d: {  	_ =	sdelay $0x15e  }
0x16e: {  	[sflag:s25] =	ssyncset.done $0x0  }
0x16f: {  	[smem:s12], [sflag:$0x2] =	smem.add.s32 s18;
	s18 =	sshrl.u32 s9, $0x7  }
0x170: {  	p1 =	seq.s32 s18, $0x0  }
.Ltmp20:
0x171: {  	_ = 	snop;
	(pc) =	sbr.rel @p1 .LBB2_26-.Ltmp20, $4  }
0x172: {  	_ =	swait.done [sflag:s25]  }
0x173: {  	s4 =	ssyncread [sflag:$0x2]  }
0x174: {  	[sflag:s25] =	ssyncset.s32 $0x0  }
0x175: {  	[sflag:s25] =	ssyncset.done $0x0  }
0x176: {  	p2 =	sne.s32 s18, $0x1  }
.Ltmp21:
0x177: {  	_ = 	snop;
	(pc) =	sbr.rel @!p2 .LBB2_21-.Ltmp21, $3  }
0x178: {  	_ =	sdelay $0x1  }
0x179: {  	s4 =	sadd.s32 s17, s4  }
0x17a: {  	s20 =	sadd.s32 $0xFFFFFFFF, s18;
	p1 =	por $0x0, $0x0;
	s18 =	sshrl.u32 s4, $0x3  }
0x17b: {  	s9 =	sadd.s32 s18, s6  }
0x17c: {  	[hbm4b:s9+s8] =	stream.linear.scatter [tilespmem:s15], [sflag:$0x3], $0x80, $0x38;
	[tilespmem:$0x1E880] =	vst v63  }
0x17d: {  	p2 =	sne.s32 s20, $0x1;
	_ =	swait.ge [sflag:s14], $0x80  }
.Ltmp22:
0x17e: {  	s22 =	sadd.s32 s18, s7;
	[sflag:s14] =	ssyncset.done $0x0;
	(pc) =	sbr.rel @!p2 .LBB2_23-.Ltmp22, $4  }
0x17f: {  	s4 =	sadd.s32 $0x80, s4;
	p1 =	por $0x1, $0x1;
	[sflag:s14] =	ssyncadd.s32 $0xFFFFFF80  }
0x180: {  	[hbm4b:s22+s8] =	stream.linear.scatter [tilespmem:s16], [sflag:$0x3], $0x80, $0x38;
	[tilespmem:$0x1E880] =	vst v63  }
0x181: {  	s21 =	smov.u32 s15;
	s18 =	sshrl.u32 s4, $0x3;
	_ =	swait.ge [sflag:s14], $0x80  }
0x182: {  	s22 =	sadd.s32 $0xFFFFFFFF, s20;
	s20 =	sadd.s32 $0x80, s16;
	[sflag:s14] =	ssyncset.done $0x0  }
.LBB2_24:
0x183: {  	s9 =	sadd.s32 s18, s6;
	[sflag:s14] =	ssyncadd.s32 $0xFFFFFF80;
	s21 =	sadd.s32 $0x80, s21  }
0x184: {  	[hbm4b:s9+s8] =	stream.linear.scatter [tilespmem:s21], [sflag:$0x3], $0x80, $0x38;
	[tilespmem:$0x1E880] =	vst v63  }
0x185: {  	p2 =	sne.s32 s22, $0x1;
	s22 =	sadd.s32 $0xFFFFFFFF, s22;
	_ =	swait.ge [sflag:s14], $0x80  }
.Ltmp23:
0x186: {  	[sflag:s14] =	ssyncset.done $0x0;
	(pc) =	sbr.rel @p2 .LBB2_24-.Ltmp23, $4  }
0x187: {  	s9 =	sadd.s32 s18, s7;
	[sflag:s14] =	ssyncadd.s32 $0xFFFFFF80  }
0x188: {  	[hbm4b:s9+s8] =	stream.linear.scatter [tilespmem:s20], [sflag:$0x3], $0x80, $0x38;
	[tilespmem:$0x1E880] =	vst v63  }
0x189: {  	s4 =	sadd.s32 $0x80, s4;
	_ =	swait.ge [sflag:s14], $0x80  }
0x18a: {  	s18 =	sshrl.u32 s4, $0x3;
	s20 =	sadd.s32 $0x80, s20;
	[sflag:s14] =	ssyncset.done $0x0  }
.Ltmp24:
0x18b: {  	_ = 	snop;
	(pc) =	sbr.rel .LBB2_25-.Ltmp24, $1  }
0x18c: {  	_ =	sdelay $0x3  }
.LBB2_23:
.Ltmp25:
0x18d: {  	(pc) =	sbr.rel .LBB2_25-.Ltmp25, $2  }
0x18e: {  	_ =	sdelay $0x2  }
0x18f: {  	s21 =	smov.u32 s15  }
.LBB2_27:
0x190: {  	[bflag:$0x0] =	sbarrier.arrive $0xFFFF;
	s9 =	simm.s32 $0x1  }
0x191: {  	s4 =	stileid.u32;
	[sflag:s9] =	ssyncset.done $0x0  }
0x192: {  	[smem:s4], [sflag:$0x1] =	smem.add.s32 $0x0  }
0x193: {  	_ =	swait.done [sflag:s9]  }
0x194: {  	s22 =	ssyncread [sflag:$0x1];
	_ =	sdelay $0x2  }
0x195: {  	s4 =	sshrl.u32 s22, $0x7  }
0x196: {  	p1 =	seq.s32 s4, $0x0  }
.Ltmp26:
0x197: {  	s20 =	rddreg [dreg:$0xc];
	(pc) =	sbr.rel @p1 .LBB2_34-.Ltmp26, $4  }
0x198: {  	s21 =	rddreg [dreg:$0xd]  }
0x199: {  	s16 =	rddreg [dreg:$0x12]  }
0x19a: {  	[sflag:s9] =	ssyncset.s32 $0x0;
	s18 =	rddreg [dreg:$0x13]  }
0x19b: {  	[sflag:s9] =	ssyncset.done $0x0;
	s22 =	rddreg [dreg:$0xe]  }
0x19c: {  	p2 =	sne.s32 s4, $0x1  }
.Ltmp27:
0x19d: {  	_ = 	snop;
	(pc) =	sbr.rel @!p2 .LBB2_33-.Ltmp27, $3  }
0x19e: {  	_ =	sdelay $0x1  }
0x19f: {  	s9 =	simm.s32 $0x0;
	s4 =	sadd.s32 $0xFFFFFFFF, s4  }
0x1a0: {  	s15 =	sand.u32 $0x1FFFFFF0, s18;
	p1 =	por $0x0, $0x0;
	s12 =	sand.u32 $0x780, s9  }
0x1a1: {  	s9 =	sor.u32 $0x1B800, s12;
	s16 =	sadd.s32 s15, s6  }
0x1a2: {  	[tilespmem:s9], [sflag:$0x2] =	stream.linear.gather [hbm4b:s16+s8], $0x80, $0x38;
	[tilespmem:$0x1E880] =	vst v63  }
0x1a3: {  	_ =	swait.ge [sflag:s25], $0x80  }
0x1a4: {  	[sflag:s25] =	ssyncset.done $0x0  }
0x1a5: {  	s17 =	sadd.s32 s15, s7;
	s16 =	sor.u32 $0x1C000, s12;
	[sflag:s25] =	ssyncadd.s32 $0xFFFFFF80  }
0x1a6: {  	[tilespmem:s16], [sflag:$0x2] =	stream.linear.gather [hbm4b:s17+s8], $0x80, $0x38;
	[tilespmem:$0x1E880] =	vst v63  }
0x1a7: {  	p2 =	sne.s32 s4, $0x1;
	_ =	swait.ge [sflag:s25], $0x80  }
.Ltmp28:
0x1a8: {  	[sflag:s25] =	ssyncset.done $0x0;
	(pc) =	sbr.rel @!p2 .LBB2_30-.Ltmp28, $4  }
0x1a9: {  	s18 =	sadd.s32 $0x10, s18;
	p1 =	por $0x1, $0x1;
	[sflag:s25] =	ssyncadd.s32 $0xFFFFFF80  }
0x1aa: {  	[spmem:s5] =	stream.indirect.scatter.add.f32 [tilespmem:s16], [sflag:$0x2], $0x1, s9, s10, $0xb8;
	[tilespmem:$0x1E880] =	vst v63  }
0x1ab: {  	s15 =	sand.u32 $0x1FFFFFF0, s18;
	s17 =	simm.s32 $0x80;
	_ =	swait.ge [sflag:s25], $0x80  }
0x1ac: {  	s12 =	sand.u32 $0x780, s17;
	s16 =	sadd.s32 $0xFFFFFFFF, s4;
	[sflag:s25] =	ssyncset.done $0x0  }
.LBB2_31:
0x1ad: {  	s4 =	sor.u32 $0x1B800, s12;
	s9 =	sadd.s32 s15, s6;
	[sflag:s25] =	ssyncadd.s32 $0xFFFFFF80  }
0x1ae: {  	[tilespmem:s4], [sflag:$0x2] =	stream.linear.gather [hbm4b:s9+s8], $0x80, $0x38;
	[tilespmem:$0x1E880] =	vst v63  }
0x1af: {  	p2 =	sne.s32 s16, $0x1;
	s16 =	sadd.s32 $0xFFFFFFFF, s16;
	_ =	swait.ge [sflag:s25], $0x80  }
0x1b0: {  	[sflag:s25] =	ssyncset.done $0x0  }
0x1b1: {  	s9 =	sor.u32 $0x1C000, s12;
	s12 =	sadd.s32 s15, s7;
	[sflag:s25] =	ssyncadd.s32 $0xFFFFFF80  }
0x1b2: {  	[tilespmem:s9], [sflag:$0x2] =	stream.linear.gather [hbm4b:s12+s8], $0x80, $0x38;
	[tilespmem:$0x1E880] =	vst v63  }
0x1b3: {  	_ =	swait.ge [sflag:s25], $0x80  }
.Ltmp29:
0x1b4: {  	[sflag:s25] =	ssyncset.done $0x0;
	(pc) =	sbr.rel @p2 .LBB2_31-.Ltmp29, $4  }
0x1b5: {  	[sflag:s25] =	ssyncadd.s32 $0xFFFFFF80  }
0x1b6: {  	[spmem:s5] =	stream.indirect.scatter.add.f32 [tilespmem:s9], [sflag:$0x2], $0x1, s4, s10, $0xb8;
	[tilespmem:$0x1E880] =	vst v63  }
0x1b7: {  	s18 =	sadd.s32 $0x10, s18;
	s17 =	sadd.s32 $0x80, s17;
	_ =	swait.ge [sflag:s25], $0x80  }
0x1b8: {  	s15 =	sand.u32 $0x1FFFFFF0, s18;
	s12 =	sand.u32 $0x780, s17;
	[sflag:s25] =	ssyncset.done $0x0  }
.Ltmp30:
0x1b9: {  	(pc) =	sbr.rel .LBB2_33-.Ltmp30, $2  }
0x1ba: {  	_ =	sdelay $0x2  }
0x1bb: {  	s16 =	rddreg [dreg:$0x12]  }
.LBB2_36:
0x1bc: {  	_ =	sfence.sel $0x180000  }
0x1bd: {  	[bflag:$0x0] =	sbarrier.arrive $0xFFFF  }
0x1be: {  	_ =	strace $0x90000047  }
0x1bf: {  	[bflag:$0x2] =	sbarrier.arrive $0xFFFF  }
0x1c0: {  	s0 =	rddreg [dreg:$0x7]  }
0x1c1: {  	s0 =	sadd.s32 @!p0 $0x100000, s0  }
0x1c2: {  	[sflag:s0] =	ssyncadd.tile.s32 @!p0 $0x1;
	_ =	shalt  }
.Lfunc_end2:
_tile_overlayer_lowered:
.L_overlay_start_2:
0x1c3: {  	(tag) =	ssettag $0x2  }
0x1c4: {  	s0 =	rddreg [dreg:$0x0];
	s2 =	stileid.u32  }
0x1c5: {  	s1 =	rddreg [dreg:$0x1];
	p0 =	sne.s32 s2, $0x0  }
0x1c6: {  	s3 =	rddreg [dreg:$0x2];
	[bflag:$0x3] =	sbarrier.arrive $0xFFFF;
	s2 =	simm.s32 @!p0 $0x1C01  }
0x1c7: {  	[timem:s3], [sflag:s2] =	dma.local @!p0 [hbm:s0], s1  }
0x1c8: {  	s0 =	simm.s32 @!p0 $0x1  }
0x1c9: {  	_ =	swait.ge @!p0 [sflag:s0], s1  }
0x1ca: {  	s1 =	ssub.s32 @!p0 $0x0, s1;
	[sflag:s0] =	ssyncset.done @!p0 $0x0  }
0x1cb: {  	[sflag:s0] =	ssyncadd.s32 @!p0 s1  }
0x1cc: {  	[bflag:$0x3] =	sbarrier.arrive $0xFFFF  }
0x1cd: {  	_ =	shalt  }

</sc_bundles>
